<compile_context>
chip_gen: v7x
topology: tpu7x:2x2x1
jax: 0.10.2.dev20260603
libtpu: 0.0.44.dev20260713+nightly
codegen_flags: <defaults>
</compile_context>

<pallas_src>
import functools

import jax
import jax.numpy as jnp
from jax import lax
from jax.experimental import pallas as pl
from jax.experimental.pallas import tpu as pltpu
from jax.experimental.pallas import tpu_sc as plsc

NC = 2
NS = 16
NW = NC * NS
LANE = 16
CHUNK = 128


def _sc_index_count_body(N, E, EPT, NCH, NREAL_J, NJ, GROW, NGROW, ZR,
                         src_h, dst_h, typ_h,
                         gidx_h, ridx_h, didx_h, cnt_h,
                         src_v, dst_v, typ_v, gidx_v, ridx_v, didx_v,
                         ones_v, zb_v, cnt_sh):
    c = lax.axis_index("c")
    s = lax.axis_index("s")
    wid = c * NS + s
    base = wid * EPT
    pltpu.sync_copy(src_h.at[pl.ds(base, EPT)], src_v)
    pltpu.sync_copy(dst_h.at[pl.ds(base, EPT)], dst_v)
    pltpu.sync_copy(typ_h.at[pl.ds(base, EPT)], typ_v)

    lane = lax.iota(jnp.int32, 16)
    one_row = jnp.where(lane == 0, 1.0, 0.0).astype(jnp.float32)
    zrow = jnp.zeros((16,), jnp.float32)

    def fill_ones(i, _):
        ones_v[i, :] = one_row
        return 0
    lax.fori_loop(0, CHUNK, fill_ones, 0)

    def fill_z(i, _):
        zb_v[i, :] = zrow
        return 0
    lax.fori_loop(0, ZR // 8, fill_z, 0)

    base_r = s * ZR
    for k in range(8):
        pltpu.sync_copy(zb_v, cnt_sh.at[pl.ds(base_r + k * (ZR // 8), ZR // 8)])

    def build(j, _):
        off = jnp.minimum(j * 16, EPT - 16)
        sv = src_v[pl.ds(off, 16)]
        dv = dst_v[pl.ds(off, 16)]
        tv = typ_v[pl.ds(off, 16)]
        g = tv * N + sv
        ri = tv * N + dv
        valid = j < NREAL_J
        g = jnp.where(valid, g, 0)
        ri = jnp.where(valid, ri, GROW)
        di = jnp.where(valid, dv, NGROW)
        row = j // 8
        col = (j % 8) * 16
        gidx_v[row, pl.ds(col, 16)] = g
        ridx_v[row, pl.ds(col, 16)] = ri
        didx_v[row, pl.ds(col, 16)] = di
        return 0
    lax.fori_loop(0, NJ, build, 0)

    pltpu.sync_copy(gidx_v, gidx_h.at[wid])
    pltpu.sync_copy(ridx_v, ridx_h.at[wid])
    pltpu.sync_copy(didx_v, didx_h.at[wid])

    plsc.subcore_barrier()

    def cscat(j, _):
        pltpu.sync_copy(ones_v, cnt_sh.at[ridx_v.at[j]], add=True)
        return 0
    lax.fori_loop(0, NCH, cscat, 0)

    plsc.subcore_barrier()
    pltpu.sync_copy(cnt_sh.at[pl.ds(base_r, ZR)],
                    cnt_h.at[c, pl.ds(base_r, ZR)])


def _sc_feature_body(H, NCH, ZRN,
                     ytab_h, rtab_h, gidx_h, ridx_h, didx_h,
                     sacc_h,
                     gidx_v, ridx_v, didx_v, rows_v, rrow_v, zb_v, acc_sh,
                     sem_a, sem_b):
    c = lax.axis_index("c")
    s = lax.axis_index("s")
    wid = c * NS + s
    pltpu.sync_copy(gidx_h.at[wid], gidx_v)
    pltpu.sync_copy(ridx_h.at[wid], ridx_v)
    pltpu.sync_copy(didx_h.at[wid], didx_v)

    zrow = jnp.zeros((16,), jnp.float32)

    def fill_z(i, _):
        for q in range(H // 16):
            zb_v[i, pl.ds(q * 16, 16)] = zrow
        return 0
    lax.fori_loop(0, ZRN // 2, fill_z, 0)

    base_r = s * ZRN
    for k in range(2):
        pltpu.sync_copy(zb_v, acc_sh.at[pl.ds(base_r + k * (ZRN // 2),
                                              ZRN // 2)])

    plsc.subcore_barrier()

    def step(j, _):
        ga = pltpu.async_copy(ytab_h.at[gidx_v.at[j]], rows_v, sem_a)
        gb = pltpu.async_copy(rtab_h.at[ridx_v.at[j]], rrow_v, sem_b)
        ga.wait()
        gb.wait()

        def mul(e, _):
            for q in range(H // 16):
                rows_v[e, pl.ds(q * 16, 16)] = (
                    rows_v[e, pl.ds(q * 16, 16)]
                    * rrow_v[e, pl.ds(q * 16, 16)])
            return 0
        lax.fori_loop(0, CHUNK, mul, 0)

        pltpu.sync_copy(rows_v, acc_sh.at[didx_v.at[j]], add=True)
        return 0
    lax.fori_loop(0, NCH, step, 0)

    plsc.subcore_barrier()
    pltpu.sync_copy(acc_sh.at[pl.ds(base_r, ZRN)],
                    sacc_h.at[c, pl.ds(base_r, ZRN)])


def _tc_recip_body(cnt_ref, rtab_ref):
    c = cnt_ref[0, :, 0:1] + cnt_ref[1, :, 0:1]
    r = 1.0 / jnp.maximum(c, 1.0)
    rtab_ref[:] = jnp.broadcast_to(r, rtab_ref.shape)


def _tc_transform_body(R, x_ref, wrel_ref, wroot_ref, b_ref, y_ref, xroot_ref):
    xb = x_ref[:]
    for r in range(R):
        y_ref[r] = jnp.dot(xb, wrel_ref[r], preferred_element_type=jnp.float32)
    xroot_ref[:] = (jnp.dot(xb, wroot_ref[:], preferred_element_type=jnp.float32)
                    + b_ref[:])


def _tc_combine_transform_body(R, sacc_ref, xroot_ref, wrel_ref,
                               wroot_ref, b_ref, y_ref, xroot2_ref):
    h = jnp.maximum(xroot_ref[:] + sacc_ref[0] + sacc_ref[1], 0.0)
    for r in range(R):
        y_ref[r] = jnp.dot(h, wrel_ref[r], preferred_element_type=jnp.float32)
    xroot2_ref[:] = (jnp.dot(h, wroot_ref[:], preferred_element_type=jnp.float32)
                     + b_ref[:])


def _tc_final_body(sacc_ref, xroot_ref, wc_ref, bc_ref, out_ref):
    h = jnp.maximum(xroot_ref[:] + sacc_ref[0] + sacc_ref[1], 0.0)
    out_ref[:] = (jnp.dot(h, wc_ref[:], preferred_element_type=jnp.float32)
                  + bc_ref[:])


@functools.lru_cache(maxsize=None)
def _build_calls(N, E, R, IN, H, C):
    EPT = E // NW
    NCH = -(-EPT // CHUNK)
    EPT_P = NCH * CHUNK
    NROWS = R * N
    GROW = NROWS
    ROWS_P = -(-(NROWS + 1) // (NS * 8)) * (NS * 8)
    ZR = ROWS_P // NS
    NGROW = N
    NP = -(-(N + 1) // (NS * 2)) * (NS * 2)
    ZRN = NP // NS
    NJ = EPT_P // 16
    NREAL_J = EPT // 16

    mesh = plsc.VectorSubcoreMesh(core_axis_name="c", subcore_axis_name="s",
                                  num_cores=NC, num_subcores=NS)
    sc_params = pltpu.CompilerParams(use_tc_tiling_on_sc=False)

    index_count = pl.kernel(
        functools.partial(_sc_index_count_body, N, E, EPT, NCH, NREAL_J, NJ,
                          GROW, NGROW, ZR),
        out_type=(
            jax.ShapeDtypeStruct((NW, NCH, CHUNK), jnp.int32),
            jax.ShapeDtypeStruct((NW, NCH, CHUNK), jnp.int32),
            jax.ShapeDtypeStruct((NW, NCH, CHUNK), jnp.int32),
            jax.ShapeDtypeStruct((NC, ROWS_P, LANE), jnp.float32),
        ),
        mesh=mesh,
        scratch_types=[
            pltpu.VMEM((EPT,), jnp.int32),
            pltpu.VMEM((EPT,), jnp.int32),
            pltpu.VMEM((EPT,), jnp.int32),
            pltpu.VMEM((NCH, CHUNK), jnp.int32),
            pltpu.VMEM((NCH, CHUNK), jnp.int32),
            pltpu.VMEM((NCH, CHUNK), jnp.int32),
            pltpu.VMEM((CHUNK, LANE), jnp.float32),
            pltpu.VMEM((ZR // 8, LANE), jnp.float32),
            pltpu.VMEM_SHARED((ROWS_P, LANE), jnp.float32),
        ],
        compiler_params=sc_params,
        name="rgcn_sc_index_count",
    )

    feature = pl.kernel(
        functools.partial(_sc_feature_body, H, NCH, ZRN),
        out_type=jax.ShapeDtypeStruct((NC, NP, H), jnp.float32),
        mesh=mesh,
        scratch_types=[
            pltpu.VMEM((NCH, CHUNK), jnp.int32),
            pltpu.VMEM((NCH, CHUNK), jnp.int32),
            pltpu.VMEM((NCH, CHUNK), jnp.int32),
            pltpu.VMEM((CHUNK, H), jnp.float32),
            pltpu.VMEM((CHUNK, H), jnp.float32),
            pltpu.VMEM((ZRN // 2, H), jnp.float32),
            pltpu.VMEM_SHARED((NP, H), jnp.float32),
            pltpu.SemaphoreType.DMA,
            pltpu.SemaphoreType.DMA,
        ],
        compiler_params=sc_params,
        name="rgcn_sc_feature",
    )

    BR = ROWS_P // LANE
    recip = pl.pallas_call(
        _tc_recip_body,
        grid=(LANE,),
        in_specs=[pl.BlockSpec((NC, BR, LANE), lambda i: (0, i, 0))],
        out_specs=pl.BlockSpec((BR, H), lambda i: (i, 0)),
        out_shape=jax.ShapeDtypeStruct((ROWS_P, H), jnp.float32),
    )

    BN = 2000
    grid = (N // BN,)

    transform = pl.pallas_call(
        functools.partial(_tc_transform_body, R),
        grid=grid,
        in_specs=[
            pl.BlockSpec((BN, IN), lambda i: (i, 0)),
            pl.BlockSpec((R, IN, H), lambda i: (0, 0, 0)),
            pl.BlockSpec((IN, H), lambda i: (0, 0)),
            pl.BlockSpec((1, H), lambda i: (0, 0)),
        ],
        out_specs=[
            pl.BlockSpec((R, BN, H), lambda i: (0, i, 0)),
            pl.BlockSpec((BN, H), lambda i: (i, 0)),
        ],
        out_shape=[
            jax.ShapeDtypeStruct((R, N, H), jnp.float32),
            jax.ShapeDtypeStruct((N, H), jnp.float32),
        ],
    )

    combine_transform = pl.pallas_call(
        functools.partial(_tc_combine_transform_body, R),
        grid=grid,
        in_specs=[
            pl.BlockSpec((NC, BN, H), lambda i: (0, i, 0)),
            pl.BlockSpec((BN, H), lambda i: (i, 0)),
            pl.BlockSpec((R, H, H), lambda i: (0, 0, 0)),
            pl.BlockSpec((H, H), lambda i: (0, 0)),
            pl.BlockSpec((1, H), lambda i: (0, 0)),
        ],
        out_specs=[
            pl.BlockSpec((R, BN, H), lambda i: (0, i, 0)),
            pl.BlockSpec((BN, H), lambda i: (i, 0)),
        ],
        out_shape=[
            jax.ShapeDtypeStruct((R, N, H), jnp.float32),
            jax.ShapeDtypeStruct((N, H), jnp.float32),
        ],
    )

    final = pl.pallas_call(
        _tc_final_body,
        grid=grid,
        in_specs=[
            pl.BlockSpec((NC, BN, H), lambda i: (0, i, 0)),
            pl.BlockSpec((BN, H), lambda i: (i, 0)),
            pl.BlockSpec((H, C), lambda i: (0, 0)),
            pl.BlockSpec((1, C), lambda i: (0, 0)),
        ],
        out_specs=pl.BlockSpec((BN, C), lambda i: (i, 0)),
        out_shape=jax.ShapeDtypeStruct((N, C), jnp.float32),
    )

    return index_count, feature, recip, transform, combine_transform, final


def kernel(x, edge_index, edge_type, W_rel1, W_root1, b1, W_rel2, W_root2,
           b2, Wc, bc):
    N, IN = x.shape
    E = edge_index.shape[1]
    R, _, H = W_rel1.shape
    C = Wc.shape[1]
    (index_count, feature, recip, transform, combine_transform,
     final) = _build_calls(N, E, R, IN, H, C)

    src = edge_index[0]
    dst = edge_index[1]

    gidx, ridx, didx, cnt_p = index_count(src, dst, edge_type)
    rtab = recip(cnt_p)

    y1, xroot1 = transform(x, W_rel1, W_root1, b1.reshape(1, H))
    s1 = feature(y1.reshape(R * N, H), rtab, gidx, ridx, didx)

    y2, xroot2 = combine_transform(s1, xroot1, W_rel2, W_root2,
                                   b2.reshape(1, H))
    s2 = feature(y2.reshape(R * N, H), rtab, gidx, ridx, didx)

    return final(s2, xroot2, Wc, bc.reshape(1, C))

# --- scband reference (transcript-rebuilt; emitter-appended) ---
"""Pipeline reference for scband-geo-node-classifier-32057635897949 (READ-ONLY COPY).

The authoritative reference and input builder live on the scoring server;
editing this copy changes nothing except your own understanding.
"""

import jax, jax.numpy as jnp
import numpy as np

N = 10000
E = 320000
R = 3
IN = 128
H = 64
C = 5


def setup_inputs(seed: int = 0) -> dict:
    key = jax.random.key(seed)
    ks = jax.random.split(key, 12)
    x = jax.random.normal(ks[0], (N, IN), dtype=jnp.float32)
    edge_index = jax.random.randint(ks[1], (2, E), 0, N, dtype=jnp.int32)
    edge_type = jax.random.randint(ks[2], (E,), 0, R, dtype=jnp.int32)
    W_rel1 = jax.random.normal(ks[3], (R, IN, H), dtype=jnp.float32) / np.sqrt(IN)
    W_root1 = jax.random.normal(ks[4], (IN, H), dtype=jnp.float32) / np.sqrt(IN)
    b1 = jnp.zeros((H,), dtype=jnp.float32)
    W_rel2 = jax.random.normal(ks[5], (R, H, H), dtype=jnp.float32) / np.sqrt(H)
    W_root2 = jax.random.normal(ks[6], (H, H), dtype=jnp.float32) / np.sqrt(H)
    b2 = jnp.zeros((H,), dtype=jnp.float32)
    Wc = jax.random.normal(ks[7], (H, C), dtype=jnp.float32) / np.sqrt(H)
    bc = jnp.zeros((C,), dtype=jnp.float32)
    return {"x": x, "edge_index": edge_index, "edge_type": edge_type,
            "W_rel1": W_rel1, "W_root1": W_root1, "b1": b1,
            "W_rel2": W_rel2, "W_root2": W_root2, "b2": b2,
            "Wc": Wc, "bc": bc}


def _rgcn_layer(x, edge_index, edge_type, W_rel, W_root, b):
    # RGCNConv with default aggr='mean' per relation, plus root weight and bias.
    src = edge_index[0]
    dst = edge_index[1]
    n = x.shape[0]
    out = x @ W_root + b
    xs = x[src]  # gather source node features [E, in]
    for r in range(R):
        m = (edge_type == r).astype(x.dtype)  # [E]
        msg = (xs @ W_rel[r]) * m[:, None]    # [E, out]
        s = jax.ops.segment_sum(msg, dst, num_segments=n)   # scatter-add
        cnt = jax.ops.segment_sum(m, dst, num_segments=n)   # per-node relation degree
        out = out + s / jnp.maximum(cnt, 1.0)[:, None]
    return out


def reference(x, edge_index, edge_type, W_rel1, W_root1, b1, W_rel2, W_root2, b2, Wc, bc):
    h = jax.nn.relu(_rgcn_layer(x, edge_index, edge_type, W_rel1, W_root1, b1))
    h = jax.nn.relu(_rgcn_layer(h, edge_index, edge_type, W_rel2, W_root2, b2))
    return h @ Wc + bc

if __name__ == "__main__":
    import jax
    _d = setup_inputs()
    print(jax.jit(kernel)(*tuple(_d.values())))

</pallas_src>

<mosaic_0001>
#map = affine_map<(d0, d1) -> (0)>
#map1 = affine_map<(d0, d1) -> (0, 0, 0)>
module attributes {stable_mosaic.version = 14 : i64} {
  func.func @rgcn_sc_index_count(%arg0: i32, %arg1: i32, %arg2: memref<320000xi32, #tpu.memory_space<hbm>>, %arg3: memref<320000xi32, #tpu.memory_space<hbm>>, %arg4: memref<320000xi32, #tpu.memory_space<hbm>>, %arg5: memref<32x79x128xi32, #tpu.memory_space<hbm>>, %arg6: memref<32x79x128xi32, #tpu.memory_space<hbm>>, %arg7: memref<32x79x128xi32, #tpu.memory_space<hbm>>, %arg8: memref<2x30080x16xf32, #tpu.memory_space<hbm>>, %arg9: memref<10000xi32, #tpu.memory_space<vmem>>, %arg10: memref<10000xi32, #tpu.memory_space<vmem>>, %arg11: memref<10000xi32, #tpu.memory_space<vmem>>, %arg12: memref<79x128xi32, #tpu.memory_space<vmem>>, %arg13: memref<79x128xi32, #tpu.memory_space<vmem>>, %arg14: memref<79x128xi32, #tpu.memory_space<vmem>>, %arg15: memref<128x16xf32, #tpu.memory_space<vmem>>, %arg16: memref<235x16xf32, #tpu.memory_space<vmem>>, %arg17: memref<30080x16xf32, #tpu.memory_space<vmem_shared>>) attributes {dimension_semantics = [#tpu.dimension_semantics<core_parallel>, #tpu.dimension_semantics<subcore_parallel>], iteration_bounds = array<i64: 2, 16>, scalar_prefetch = 0 : i64, scratch_operands = 9 : i64, tpu.core_type = #tpu.core_type<sc_vector_subcore>, window_params = [{transform_indices = #map}, {transform_indices = #map}, {transform_indices = #map}, {transform_indices = #map1}, {transform_indices = #map1}, {transform_indices = #map1}, {transform_indices = #map1}]} {
    %mul3A = arith.constant 16 : i32
    %mul3A_0 = arith.muli %arg0, %mul3A : i32
    %add3A = arith.addi %mul3A_0, %arg1 : i32
    %mul3A_1 = arith.constant 10000 : i32
    %mul3A_2 = arith.muli %add3A, %mul3A_1 : i32
    "tpu.region"() ({
      %run_scoped3A = tpu.sem_alloc : memref<!tpu.dma_semaphore, #tpu.memory_space<semaphore_mem>>
      %dma_start3A = tpu.memref_slice %arg2[%mul3A_2] : memref<320000xi32, #tpu.memory_space<hbm>> -> memref<10000xi32, #tpu.memory_space<hbm>>
      %dma_start3A_55 = tpu.memref_slice %arg2[%mul3A_2] : memref<320000xi32, #tpu.memory_space<hbm>> -> memref<10000xi32, #tpu.memory_space<hbm>>
      tpu.enqueue_dma source(%dma_start3A_55 : memref<10000xi32, #tpu.memory_space<hbm>>) target(%arg9 : memref<10000xi32, #tpu.memory_space<vmem>>) target_semaphore(%run_scoped3A : memref<!tpu.dma_semaphore, #tpu.memory_space<semaphore_mem>>)
      %dma_wait3A = tpu.memref_slice %arg2[%mul3A_2] : memref<320000xi32, #tpu.memory_space<hbm>> -> memref<10000xi32, #tpu.memory_space<hbm>>
      %dma_wait3A_56 = tpu.memref_slice %arg2[%mul3A_2] : memref<320000xi32, #tpu.memory_space<hbm>> -> memref<10000xi32, #tpu.memory_space<hbm>>
      tpu.wait_dma2 semaphore(%run_scoped3A : memref<!tpu.dma_semaphore, #tpu.memory_space<semaphore_mem>>) src(%dma_wait3A_56 : memref<10000xi32, #tpu.memory_space<hbm>>) dst(%arg9 : memref<10000xi32, #tpu.memory_space<vmem>>)
      tpu.yield
    }) : () -> ()
    "tpu.region"() ({
      %run_scoped3A = tpu.sem_alloc : memref<!tpu.dma_semaphore, #tpu.memory_space<semaphore_mem>>
      %dma_start3A = tpu.memref_slice %arg3[%mul3A_2] : memref<320000xi32, #tpu.memory_space<hbm>> -> memref<10000xi32, #tpu.memory_space<hbm>>
      %dma_start3A_55 = tpu.memref_slice %arg3[%mul3A_2] : memref<320000xi32, #tpu.memory_space<hbm>> -> memref<10000xi32, #tpu.memory_space<hbm>>
      tpu.enqueue_dma source(%dma_start3A_55 : memref<10000xi32, #tpu.memory_space<hbm>>) target(%arg10 : memref<10000xi32, #tpu.memory_space<vmem>>) target_semaphore(%run_scoped3A : memref<!tpu.dma_semaphore, #tpu.memory_space<semaphore_mem>>)
      %dma_wait3A = tpu.memref_slice %arg3[%mul3A_2] : memref<320000xi32, #tpu.memory_space<hbm>> -> memref<10000xi32, #tpu.memory_space<hbm>>
      %dma_wait3A_56 = tpu.memref_slice %arg3[%mul3A_2] : memref<320000xi32, #tpu.memory_space<hbm>> -> memref<10000xi32, #tpu.memory_space<hbm>>
      tpu.wait_dma2 semaphore(%run_scoped3A : memref<!tpu.dma_semaphore, #tpu.memory_space<semaphore_mem>>) src(%dma_wait3A_56 : memref<10000xi32, #tpu.memory_space<hbm>>) dst(%arg10 : memref<10000xi32, #tpu.memory_space<vmem>>)
      tpu.yield
    }) : () -> ()
    "tpu.region"() ({
      %run_scoped3A = tpu.sem_alloc : memref<!tpu.dma_semaphore, #tpu.memory_space<semaphore_mem>>
      %dma_start3A = tpu.memref_slice %arg4[%mul3A_2] : memref<320000xi32, #tpu.memory_space<hbm>> -> memref<10000xi32, #tpu.memory_space<hbm>>
      %dma_start3A_55 = tpu.memref_slice %arg4[%mul3A_2] : memref<320000xi32, #tpu.memory_space<hbm>> -> memref<10000xi32, #tpu.memory_space<hbm>>
      tpu.enqueue_dma source(%dma_start3A_55 : memref<10000xi32, #tpu.memory_space<hbm>>) target(%arg11 : memref<10000xi32, #tpu.memory_space<vmem>>) target_semaphore(%run_scoped3A : memref<!tpu.dma_semaphore, #tpu.memory_space<semaphore_mem>>)
      %dma_wait3A = tpu.memref_slice %arg4[%mul3A_2] : memref<320000xi32, #tpu.memory_space<hbm>> -> memref<10000xi32, #tpu.memory_space<hbm>>
      %dma_wait3A_56 = tpu.memref_slice %arg4[%mul3A_2] : memref<320000xi32, #tpu.memory_space<hbm>> -> memref<10000xi32, #tpu.memory_space<hbm>>
      tpu.wait_dma2 semaphore(%run_scoped3A : memref<!tpu.dma_semaphore, #tpu.memory_space<semaphore_mem>>) src(%dma_wait3A_56 : memref<10000xi32, #tpu.memory_space<hbm>>) dst(%arg11 : memref<10000xi32, #tpu.memory_space<vmem>>)
      tpu.yield
    }) : () -> ()
    %iota3A = tpu.iota {dimensions = array<i32: 0>} : vector<16xi32>
    %eq3A = arith.constant 0 : i32
    %eq3A_3 = vector.broadcast %eq3A : i32 to vector<16xi32>
    %eq3A_4 = arith.cmpi eq, %iota3A, %eq3A_3 : vector<16xi32>
    %jit3A = arith.constant 1.000000e+00 : f32
    %jit3A_5 = arith.constant 0.000000e+00 : f32
    %broadcast_in_dim3A = vector.broadcast %jit3A : f32 to vector<16xf32>
    %broadcast_in_dim3A_6 = vector.broadcast %jit3A_5 : f32 to vector<16xf32>
    %select_n3A = arith.select %eq3A_4, %broadcast_in_dim3A, %broadcast_in_dim3A_6 : vector<16xi1>, vector<16xf32>
    %broadcast_in_dim3A_7 = arith.constant 0.000000e+00 : f32
    %broadcast_in_dim3A_8 = vector.broadcast %broadcast_in_dim3A_7 : f32 to vector<16xf32>
    %scan3A = arith.constant 0 : i32
    %scan3A_9 = arith.constant 0 : i32
    %scan3A_10 = arith.constant 128 : i32
    %scan3A_11 = arith.addi %scan3A_9, %scan3A_10 : i32
    %scan3A_12 = arith.constant 1 : i32
    %scan3A_13 = scf.for %scan3A_55 = %scan3A_9 to %scan3A_11 step %scan3A_12 iter_args(%scan3A_56 = %scan3A) -> (i32)  : i32 {
      %swap3A = arith.index_cast %scan3A_55 : i32 to index
      %swap3A_57 = arith.constant 0 : index
      %swap3A_58 = tpu.vector_load %arg15[%swap3A, %swap3A_57] {strides = array<i32>} : memref<128x16xf32, #tpu.memory_space<vmem>>, vector<1x16xf32>,
      %swap3A_59 = vector.shape_cast %swap3A_58 : vector<1x16xf32> to vector<16xf32>
      %swap3A_60 = vector.shape_cast %select_n3A : vector<16xf32> to vector<1x16xf32>
      tpu.vector_store %arg15[%swap3A, %swap3A_57], %swap3A_60 {strides = array<i32>} : memref<128x16xf32, #tpu.memory_space<vmem>>, vector<1x16xf32>,
      %scan3A_61 = arith.constant 0 : i32
      scf.yield %scan3A_61 : i32
    }
    %scan3A_14 = arith.constant 128 : i32
    %scan3A_15 = arith.constant 0 : i32
    %scan3A_16 = arith.constant 0 : i32
    %scan3A_17 = arith.constant 235 : i32
    %scan3A_18 = arith.addi %scan3A_16, %scan3A_17 : i32
    %scan3A_19 = arith.constant 1 : i32
    %scan3A_20 = scf.for %scan3A_55 = %scan3A_16 to %scan3A_18 step %scan3A_19 iter_args(%scan3A_56 = %scan3A_15) -> (i32)  : i32 {
      %swap3A = arith.index_cast %scan3A_55 : i32 to index
      %swap3A_57 = arith.constant 0 : index
      %swap3A_58 = tpu.vector_load %arg16[%swap3A, %swap3A_57] {strides = array<i32>} : memref<235x16xf32, #tpu.memory_space<vmem>>, vector<1x16xf32>,
      %swap3A_59 = vector.shape_cast %swap3A_58 : vector<1x16xf32> to vector<16xf32>
      %swap3A_60 = vector.shape_cast %broadcast_in_dim3A_8 : vector<16xf32> to vector<1x16xf32>
      tpu.vector_store %arg16[%swap3A, %swap3A_57], %swap3A_60 {strides = array<i32>} : memref<235x16xf32, #tpu.memory_space<vmem>>, vector<1x16xf32>,
      %scan3A_61 = arith.constant 0 : i32
      scf.yield %scan3A_61 : i32
    }
    %scan3A_21 = arith.constant 235 : i32
    %mul3A_22 = arith.constant 1880 : i32
    %mul3A_23 = arith.muli %arg1, %mul3A_22 : i32
    %add3A_24 = arith.constant 0 : i32
    %add3A_25 = arith.addi %mul3A_23, %add3A_24 : i32
    "tpu.region"() ({
      %run_scoped3A = tpu.sem_alloc : memref<!tpu.dma_semaphore, #tpu.memory_space<semaphore_mem>>
      %dma_start3A = arith.constant 0 : i32
      %dma_start3A_55 = tpu.memref_slice %arg17[%add3A_25, %dma_start3A] : memref<30080x16xf32, #tpu.memory_space<vmem_shared>> -> memref<235x16xf32, #tpu.memory_space<vmem_shared>>
      %dma_start3A_56 = arith.constant 0 : i32
      %dma_start3A_57 = tpu.memref_slice %arg17[%add3A_25, %dma_start3A_56] : memref<30080x16xf32, #tpu.memory_space<vmem_shared>> -> memref<235x16xf32, #tpu.memory_space<vmem_shared>>
      tpu.enqueue_dma source(%arg16 : memref<235x16xf32, #tpu.memory_space<vmem>>) target(%dma_start3A_57 : memref<235x16xf32, #tpu.memory_space<vmem_shared>>) target_semaphore(%run_scoped3A : memref<!tpu.dma_semaphore, #tpu.memory_space<semaphore_mem>>)
      %dma_wait3A = arith.constant 0 : i32
      %dma_wait3A_58 = tpu.memref_slice %arg17[%add3A_25, %dma_wait3A] : memref<30080x16xf32, #tpu.memory_space<vmem_shared>> -> memref<235x16xf32, #tpu.memory_space<vmem_shared>>
      %dma_wait3A_59 = arith.constant 0 : i32
      %dma_wait3A_60 = tpu.memref_slice %arg17[%add3A_25, %dma_wait3A_59] : memref<30080x16xf32, #tpu.memory_space<vmem_shared>> -> memref<235x16xf32, #tpu.memory_space<vmem_shared>>
      tpu.wait_dma2 semaphore(%run_scoped3A : memref<!tpu.dma_semaphore, #tpu.memory_space<semaphore_mem>>) src(%arg16 : memref<235x16xf32, #tpu.memory_space<vmem>>) dst(%dma_wait3A_60 : memref<235x16xf32, #tpu.memory_space<vmem_shared>>)
      tpu.yield
    }) : () -> ()
    %add3A_26 = arith.constant 235 : i32
    %add3A_27 = arith.addi %mul3A_23, %add3A_26 : i32
    "tpu.region"() ({
      %run_scoped3A = tpu.sem_alloc : memref<!tpu.dma_semaphore, #tpu.memory_space<semaphore_mem>>
      %dma_start3A = arith.constant 0 : i32
      %dma_start3A_55 = tpu.memref_slice %arg17[%add3A_27, %dma_start3A] : memref<30080x16xf32, #tpu.memory_space<vmem_shared>> -> memref<235x16xf32, #tpu.memory_space<vmem_shared>>
      %dma_start3A_56 = arith.constant 0 : i32
      %dma_start3A_57 = tpu.memref_slice %arg17[%add3A_27, %dma_start3A_56] : memref<30080x16xf32, #tpu.memory_space<vmem_shared>> -> memref<235x16xf32, #tpu.memory_space<vmem_shared>>
      tpu.enqueue_dma source(%arg16 : memref<235x16xf32, #tpu.memory_space<vmem>>) target(%dma_start3A_57 : memref<235x16xf32, #tpu.memory_space<vmem_shared>>) target_semaphore(%run_scoped3A : memref<!tpu.dma_semaphore, #tpu.memory_space<semaphore_mem>>)
      %dma_wait3A = arith.constant 0 : i32
      %dma_wait3A_58 = tpu.memref_slice %arg17[%add3A_27, %dma_wait3A] : memref<30080x16xf32, #tpu.memory_space<vmem_shared>> -> memref<235x16xf32, #tpu.memory_space<vmem_shared>>
      %dma_wait3A_59 = arith.constant 0 : i32
      %dma_wait3A_60 = tpu.memref_slice %arg17[%add3A_27, %dma_wait3A_59] : memref<30080x16xf32, #tpu.memory_space<vmem_shared>> -> memref<235x16xf32, #tpu.memory_space<vmem_shared>>
      tpu.wait_dma2 semaphore(%run_scoped3A : memref<!tpu.dma_semaphore, #tpu.memory_space<semaphore_mem>>) src(%arg16 : memref<235x16xf32, #tpu.memory_space<vmem>>) dst(%dma_wait3A_60 : memref<235x16xf32, #tpu.memory_space<vmem_shared>>)
      tpu.yield
    }) : () -> ()
    %add3A_28 = arith.constant 470 : i32
    %add3A_29 = arith.addi %mul3A_23, %add3A_28 : i32
    "tpu.region"() ({
      %run_scoped3A = tpu.sem_alloc : memref<!tpu.dma_semaphore, #tpu.memory_space<semaphore_mem>>
      %dma_start3A = arith.constant 0 : i32
      %dma_start3A_55 = tpu.memref_slice %arg17[%add3A_29, %dma_start3A] : memref<30080x16xf32, #tpu.memory_space<vmem_shared>> -> memref<235x16xf32, #tpu.memory_space<vmem_shared>>
      %dma_start3A_56 = arith.constant 0 : i32
      %dma_start3A_57 = tpu.memref_slice %arg17[%add3A_29, %dma_start3A_56] : memref<30080x16xf32, #tpu.memory_space<vmem_shared>> -> memref<235x16xf32, #tpu.memory_space<vmem_shared>>
      tpu.enqueue_dma source(%arg16 : memref<235x16xf32, #tpu.memory_space<vmem>>) target(%dma_start3A_57 : memref<235x16xf32, #tpu.memory_space<vmem_shared>>) target_semaphore(%run_scoped3A : memref<!tpu.dma_semaphore, #tpu.memory_space<semaphore_mem>>)
      %dma_wait3A = arith.constant 0 : i32
      %dma_wait3A_58 = tpu.memref_slice %arg17[%add3A_29, %dma_wait3A] : memref<30080x16xf32, #tpu.memory_space<vmem_shared>> -> memref<235x16xf32, #tpu.memory_space<vmem_shared>>
      %dma_wait3A_59 = arith.constant 0 : i32
      %dma_wait3A_60 = tpu.memref_slice %arg17[%add3A_29, %dma_wait3A_59] : memref<30080x16xf32, #tpu.memory_space<vmem_shared>> -> memref<235x16xf32, #tpu.memory_space<vmem_shared>>
      tpu.wait_dma2 semaphore(%run_scoped3A : memref<!tpu.dma_semaphore, #tpu.memory_space<semaphore_mem>>) src(%arg16 : memref<235x16xf32, #tpu.memory_space<vmem>>) dst(%dma_wait3A_60 : memref<235x16xf32, #tpu.memory_space<vmem_shared>>)
      tpu.yield
    }) : () -> ()
    %add3A_30 = arith.constant 705 : i32
    %add3A_31 = arith.addi %mul3A_23, %add3A_30 : i32
    "tpu.region"() ({
      %run_scoped3A = tpu.sem_alloc : memref<!tpu.dma_semaphore, #tpu.memory_space<semaphore_mem>>
      %dma_start3A = arith.constant 0 : i32
      %dma_start3A_55 = tpu.memref_slice %arg17[%add3A_31, %dma_start3A] : memref<30080x16xf32, #tpu.memory_space<vmem_shared>> -> memref<235x16xf32, #tpu.memory_space<vmem_shared>>
      %dma_start3A_56 = arith.constant 0 : i32
      %dma_start3A_57 = tpu.memref_slice %arg17[%add3A_31, %dma_start3A_56] : memref<30080x16xf32, #tpu.memory_space<vmem_shared>> -> memref<235x16xf32, #tpu.memory_space<vmem_shared>>
      tpu.enqueue_dma source(%arg16 : memref<235x16xf32, #tpu.memory_space<vmem>>) target(%dma_start3A_57 : memref<235x16xf32, #tpu.memory_space<vmem_shared>>) target_semaphore(%run_scoped3A : memref<!tpu.dma_semaphore, #tpu.memory_space<semaphore_mem>>)
      %dma_wait3A = arith.constant 0 : i32
      %dma_wait3A_58 = tpu.memref_slice %arg17[%add3A_31, %dma_wait3A] : memref<30080x16xf32, #tpu.memory_space<vmem_shared>> -> memref<235x16xf32, #tpu.memory_space<vmem_shared>>
      %dma_wait3A_59 = arith.constant 0 : i32
      %dma_wait3A_60 = tpu.memref_slice %arg17[%add3A_31, %dma_wait3A_59] : memref<30080x16xf32, #tpu.memory_space<vmem_shared>> -> memref<235x16xf32, #tpu.memory_space<vmem_shared>>
      tpu.wait_dma2 semaphore(%run_scoped3A : memref<!tpu.dma_semaphore, #tpu.memory_space<semaphore_mem>>) src(%arg16 : memref<235x16xf32, #tpu.memory_space<vmem>>) dst(%dma_wait3A_60 : memref<235x16xf32, #tpu.memory_space<vmem_shared>>)
      tpu.yield
    }) : () -> ()
    %add3A_32 = arith.constant 940 : i32
    %add3A_33 = arith.addi %mul3A_23, %add3A_32 : i32
    "tpu.region"() ({
      %run_scoped3A = tpu.sem_alloc : memref<!tpu.dma_semaphore, #tpu.memory_space<semaphore_mem>>
      %dma_start3A = arith.constant 0 : i32
      %dma_start3A_55 = tpu.memref_slice %arg17[%add3A_33, %dma_start3A] : memref<30080x16xf32, #tpu.memory_space<vmem_shared>> -> memref<235x16xf32, #tpu.memory_space<vmem_shared>>
      %dma_start3A_56 = arith.constant 0 : i32
      %dma_start3A_57 = tpu.memref_slice %arg17[%add3A_33, %dma_start3A_56] : memref<30080x16xf32, #tpu.memory_space<vmem_shared>> -> memref<235x16xf32, #tpu.memory_space<vmem_shared>>
      tpu.enqueue_dma source(%arg16 : memref<235x16xf32, #tpu.memory_space<vmem>>) target(%dma_start3A_57 : memref<235x16xf32, #tpu.memory_space<vmem_shared>>) target_semaphore(%run_scoped3A : memref<!tpu.dma_semaphore, #tpu.memory_space<semaphore_mem>>)
      %dma_wait3A = arith.constant 0 : i32
      %dma_wait3A_58 = tpu.memref_slice %arg17[%add3A_33, %dma_wait3A] : memref<30080x16xf32, #tpu.memory_space<vmem_shared>> -> memref<235x16xf32, #tpu.memory_space<vmem_shared>>
      %dma_wait3A_59 = arith.constant 0 : i32
      %dma_wait3A_60 = tpu.memref_slice %arg17[%add3A_33, %dma_wait3A_59] : memref<30080x16xf32, #tpu.memory_space<vmem_shared>> -> memref<235x16xf32, #tpu.memory_space<vmem_shared>>
      tpu.wait_dma2 semaphore(%run_scoped3A : memref<!tpu.dma_semaphore, #tpu.memory_space<semaphore_mem>>) src(%arg16 : memref<235x16xf32, #tpu.memory_space<vmem>>) dst(%dma_wait3A_60 : memref<235x16xf32, #tpu.memory_space<vmem_shared>>)
      tpu.yield
    }) : () -> ()
    %add3A_34 = arith.constant 1175 : i32
    %add3A_35 = arith.addi %mul3A_23, %add3A_34 : i32
    "tpu.region"() ({
      %run_scoped3A = tpu.sem_alloc : memref<!tpu.dma_semaphore, #tpu.memory_space<semaphore_mem>>
      %dma_start3A = arith.constant 0 : i32
      %dma_start3A_55 = tpu.memref_slice %arg17[%add3A_35, %dma_start3A] : memref<30080x16xf32, #tpu.memory_space<vmem_shared>> -> memref<235x16xf32, #tpu.memory_space<vmem_shared>>
      %dma_start3A_56 = arith.constant 0 : i32
      %dma_start3A_57 = tpu.memref_slice %arg17[%add3A_35, %dma_start3A_56] : memref<30080x16xf32, #tpu.memory_space<vmem_shared>> -> memref<235x16xf32, #tpu.memory_space<vmem_shared>>
      tpu.enqueue_dma source(%arg16 : memref<235x16xf32, #tpu.memory_space<vmem>>) target(%dma_start3A_57 : memref<235x16xf32, #tpu.memory_space<vmem_shared>>) target_semaphore(%run_scoped3A : memref<!tpu.dma_semaphore, #tpu.memory_space<semaphore_mem>>)
      %dma_wait3A = arith.constant 0 : i32
      %dma_wait3A_58 = tpu.memref_slice %arg17[%add3A_35, %dma_wait3A] : memref<30080x16xf32, #tpu.memory_space<vmem_shared>> -> memref<235x16xf32, #tpu.memory_space<vmem_shared>>
      %dma_wait3A_59 = arith.constant 0 : i32
      %dma_wait3A_60 = tpu.memref_slice %arg17[%add3A_35, %dma_wait3A_59] : memref<30080x16xf32, #tpu.memory_space<vmem_shared>> -> memref<235x16xf32, #tpu.memory_space<vmem_shared>>
      tpu.wait_dma2 semaphore(%run_scoped3A : memref<!tpu.dma_semaphore, #tpu.memory_space<semaphore_mem>>) src(%arg16 : memref<235x16xf32, #tpu.memory_space<vmem>>) dst(%dma_wait3A_60 : memref<235x16xf32, #tpu.memory_space<vmem_shared>>)
      tpu.yield
    }) : () -> ()
    %add3A_36 = arith.constant 1410 : i32
    %add3A_37 = arith.addi %mul3A_23, %add3A_36 : i32
    "tpu.region"() ({
      %run_scoped3A = tpu.sem_alloc : memref<!tpu.dma_semaphore, #tpu.memory_space<semaphore_mem>>
      %dma_start3A = arith.constant 0 : i32
      %dma_start3A_55 = tpu.memref_slice %arg17[%add3A_37, %dma_start3A] : memref<30080x16xf32, #tpu.memory_space<vmem_shared>> -> memref<235x16xf32, #tpu.memory_space<vmem_shared>>
      %dma_start3A_56 = arith.constant 0 : i32
      %dma_start3A_57 = tpu.memref_slice %arg17[%add3A_37, %dma_start3A_56] : memref<30080x16xf32, #tpu.memory_space<vmem_shared>> -> memref<235x16xf32, #tpu.memory_space<vmem_shared>>
      tpu.enqueue_dma source(%arg16 : memref<235x16xf32, #tpu.memory_space<vmem>>) target(%dma_start3A_57 : memref<235x16xf32, #tpu.memory_space<vmem_shared>>) target_semaphore(%run_scoped3A : memref<!tpu.dma_semaphore, #tpu.memory_space<semaphore_mem>>)
      %dma_wait3A = arith.constant 0 : i32
      %dma_wait3A_58 = tpu.memref_slice %arg17[%add3A_37, %dma_wait3A] : memref<30080x16xf32, #tpu.memory_space<vmem_shared>> -> memref<235x16xf32, #tpu.memory_space<vmem_shared>>
      %dma_wait3A_59 = arith.constant 0 : i32
      %dma_wait3A_60 = tpu.memref_slice %arg17[%add3A_37, %dma_wait3A_59] : memref<30080x16xf32, #tpu.memory_space<vmem_shared>> -> memref<235x16xf32, #tpu.memory_space<vmem_shared>>
      tpu.wait_dma2 semaphore(%run_scoped3A : memref<!tpu.dma_semaphore, #tpu.memory_space<semaphore_mem>>) src(%arg16 : memref<235x16xf32, #tpu.memory_space<vmem>>) dst(%dma_wait3A_60 : memref<235x16xf32, #tpu.memory_space<vmem_shared>>)
      tpu.yield
    }) : () -> ()
    %add3A_38 = arith.constant 1645 : i32
    %add3A_39 = arith.addi %mul3A_23, %add3A_38 : i32
    "tpu.region"() ({
      %run_scoped3A = tpu.sem_alloc : memref<!tpu.dma_semaphore, #tpu.memory_space<semaphore_mem>>
      %dma_start3A = arith.constant 0 : i32
      %dma_start3A_55 = tpu.memref_slice %arg17[%add3A_39, %dma_start3A] : memref<30080x16xf32, #tpu.memory_space<vmem_shared>> -> memref<235x16xf32, #tpu.memory_space<vmem_shared>>
      %dma_start3A_56 = arith.constant 0 : i32
      %dma_start3A_57 = tpu.memref_slice %arg17[%add3A_39, %dma_start3A_56] : memref<30080x16xf32, #tpu.memory_space<vmem_shared>> -> memref<235x16xf32, #tpu.memory_space<vmem_shared>>
      tpu.enqueue_dma source(%arg16 : memref<235x16xf32, #tpu.memory_space<vmem>>) target(%dma_start3A_57 : memref<235x16xf32, #tpu.memory_space<vmem_shared>>) target_semaphore(%run_scoped3A : memref<!tpu.dma_semaphore, #tpu.memory_space<semaphore_mem>>)
      %dma_wait3A = arith.constant 0 : i32
      %dma_wait3A_58 = tpu.memref_slice %arg17[%add3A_39, %dma_wait3A] : memref<30080x16xf32, #tpu.memory_space<vmem_shared>> -> memref<235x16xf32, #tpu.memory_space<vmem_shared>>
      %dma_wait3A_59 = arith.constant 0 : i32
      %dma_wait3A_60 = tpu.memref_slice %arg17[%add3A_39, %dma_wait3A_59] : memref<30080x16xf32, #tpu.memory_space<vmem_shared>> -> memref<235x16xf32, #tpu.memory_space<vmem_shared>>
      tpu.wait_dma2 semaphore(%run_scoped3A : memref<!tpu.dma_semaphore, #tpu.memory_space<semaphore_mem>>) src(%arg16 : memref<235x16xf32, #tpu.memory_space<vmem>>) dst(%dma_wait3A_60 : memref<235x16xf32, #tpu.memory_space<vmem_shared>>)
      tpu.yield
    }) : () -> ()
    %scan3A_40 = arith.constant 0 : i32
    %scan3A_41 = arith.constant 0 : i32
    %scan3A_42 = arith.constant 632 : i32
    %scan3A_43 = arith.addi %scan3A_41, %scan3A_42 : i32
    %scan3A_44 = arith.constant 1 : i32
    %scan3A_45 = scf.for %scan3A_55 = %scan3A_41 to %scan3A_43 step %scan3A_44 iter_args(%scan3A_56 = %scan3A_40) -> (i32)  : i32 {
      %mul3A_57 = arith.constant 16 : i32
      %mul3A_58 = arith.muli %scan3A_55, %mul3A_57 : i32
      %min3A = arith.constant 9984 : i32
      %min3A_59 = arith.minsi %mul3A_58, %min3A : i32
      %get3A = arith.index_cast %min3A_59 : i32 to index
      %get3A_60 = tpu.vector_load %arg9[%get3A] {strides = array<i32>} : memref<10000xi32, #tpu.memory_space<vmem>>, vector<16xi32>,
      %get3A_61 = vector.shape_cast %get3A_60 : vector<16xi32> to vector<16xi32>
      %get3A_62 = arith.index_cast %min3A_59 : i32 to index
      %get3A_63 = tpu.vector_load %arg10[%get3A_62] {strides = array<i32>} : memref<10000xi32, #tpu.memory_space<vmem>>, vector<16xi32>,
      %get3A_64 = vector.shape_cast %get3A_63 : vector<16xi32> to vector<16xi32>
      %get3A_65 = arith.index_cast %min3A_59 : i32 to index
      %get3A_66 = tpu.vector_load %arg11[%get3A_65] {strides = array<i32>} : memref<10000xi32, #tpu.memory_space<vmem>>, vector<16xi32>,
      %get3A_67 = vector.shape_cast %get3A_66 : vector<16xi32> to vector<16xi32>
      %mul3A_68 = arith.constant 10000 : i32
      %mul3A_69 = vector.broadcast %mul3A_68 : i32 to vector<16xi32>
      %mul3A_70 = arith.muli %get3A_67, %mul3A_69 : vector<16xi32>
      %add3A_71 = arith.addi %mul3A_70, %get3A_61 : vector<16xi32>
      %mul3A_72 = arith.constant 10000 : i32
      %mul3A_73 = vector.broadcast %mul3A_72 : i32 to vector<16xi32>
      %mul3A_74 = arith.muli %get3A_67, %mul3A_73 : vector<16xi32>
      %add3A_75 = arith.addi %mul3A_74, %get3A_64 : vector<16xi32>
      %lt3A = arith.constant 625 : i32
      %lt3A_76 = arith.cmpi slt, %scan3A_55, %lt3A : i32
      %jit3A_77 = arith.constant 0 : i32
      %broadcast_in_dim3A_78 = vector.broadcast %jit3A_77 : i32 to vector<16xi32>
      %select_n3A_79 = arith.select %lt3A_76, %add3A_71, %broadcast_in_dim3A_78 : vector<16xi32>
      %jit3A_80 = arith.constant 30000 : i32
      %broadcast_in_dim3A_81 = vector.broadcast %jit3A_80 : i32 to vector<16xi32>
      %select_n3A_82 = arith.select %lt3A_76, %add3A_75, %broadcast_in_dim3A_81 : vector<16xi32>
      %jit3A_83 = arith.constant 10000 : i32
      %broadcast_in_dim3A_84 = vector.broadcast %jit3A_83 : i32 to vector<16xi32>
      %select_n3A_85 = arith.select %lt3A_76, %get3A_64, %broadcast_in_dim3A_84 : vector<16xi32>
      %jit3A_86 = arith.constant 8 : i32
      %div3A = arith.divsi %scan3A_55, %jit3A_86 : i32
      %sign3A = arith.constant 0 : i32
      %sign3A_87 = arith.cmpi sgt, %scan3A_55, %sign3A : i32
      %sign3A_88 = arith.extui %sign3A_87 : i1 to i32
      %sign3A_89 = arith.constant 0 : i32
      %sign3A_90 = arith.cmpi slt, %scan3A_55, %sign3A_89 : i32
      %sign3A_91 = arith.extui %sign3A_90 : i1 to i32
      %sign3A_92 = arith.subi %sign3A_88, %sign3A_91 : i32
      %sign3A_93 = arith.constant 0 : i32
      %sign3A_94 = arith.cmpi sgt, %jit3A_86, %sign3A_93 : i32
      %sign3A_95 = arith.extui %sign3A_94 : i1 to i32
      %sign3A_96 = arith.constant 0 : i32
      %sign3A_97 = arith.cmpi slt, %jit3A_86, %sign3A_96 : i32
      %sign3A_98 = arith.extui %sign3A_97 : i1 to i32
      %sign3A_99 = arith.subi %sign3A_95, %sign3A_98 : i32
      %ne3A = arith.cmpi ne, %sign3A_92, %sign3A_99 : i32
      %rem3A = arith.remsi %scan3A_55, %jit3A_86 : i32
      %ne3A_100 = arith.constant 0 : i32
      %ne3A_101 = arith.cmpi ne, %rem3A, %ne3A_100 : i32
      %and3A = arith.andi %ne3A, %ne3A_101 : i1
      %sub3A = arith.constant 1 : i32
      %sub3A_102 = arith.subi %div3A, %sub3A : i32
      %select_n3A_103 = arith.select %and3A, %sub3A_102, %div3A : i32
      %jit3A_104 = arith.constant 8 : i32
      %eq3A_105 = arith.constant 0 : i32
      %eq3A_106 = arith.cmpi eq, %jit3A_104, %eq3A_105 : i32
      %jit3A_107 = arith.constant 1 : i32
      %select_n3A_108 = arith.select %eq3A_106, %jit3A_107, %jit3A_104 : i32
      %rem3A_109 = arith.remsi %scan3A_55, %select_n3A_108 : i32
      %ne3A_110 = arith.constant 0 : i32
      %ne3A_111 = arith.cmpi ne, %rem3A_109, %ne3A_110 : i32
      %lt3A_112 = arith.constant 0 : i32
      %lt3A_113 = arith.cmpi slt, %rem3A_109, %lt3A_112 : i32
      %lt3A_114 = arith.constant 0 : i32
      %lt3A_115 = arith.cmpi slt, %select_n3A_108, %lt3A_114 : i32
      %ne3A_116 = arith.xori %lt3A_113, %lt3A_115 : i1
      %and3A_117 = arith.andi %ne3A_116, %ne3A_111 : i1
      %add3A_118 = arith.addi %rem3A_109, %select_n3A_108 : i32
      %select_n3A_119 = arith.select %and3A_117, %add3A_118, %rem3A_109 : i32
      %mul3A_120 = arith.constant 16 : i32
      %mul3A_121 = arith.muli %select_n3A_119, %mul3A_120 : i32
      %swap3A = arith.index_cast %select_n3A_103 : i32 to index
      %swap3A_122 = arith.index_cast %mul3A_121 : i32 to index
      %swap3A_123 = tpu.vector_load %arg12[%swap3A, %swap3A_122] {strides = array<i32>} : memref<79x128xi32, #tpu.memory_space<vmem>>, vector<1x16xi32>,
      %swap3A_124 = vector.shape_cast %swap3A_123 : vector<1x16xi32> to vector<16xi32>
      %swap3A_125 = vector.shape_cast %select_n3A_79 : vector<16xi32> to vector<1x16xi32>
      tpu.vector_store %arg12[%swap3A, %swap3A_122], %swap3A_125 {strides = array<i32>} : memref<79x128xi32, #tpu.memory_space<vmem>>, vector<1x16xi32>,
      %swap3A_126 = arith.index_cast %select_n3A_103 : i32 to index
      %swap3A_127 = arith.index_cast %mul3A_121 : i32 to index
      %swap3A_128 = tpu.vector_load %arg13[%swap3A_126, %swap3A_127] {strides = array<i32>} : memref<79x128xi32, #tpu.memory_space<vmem>>, vector<1x16xi32>,
      %swap3A_129 = vector.shape_cast %swap3A_128 : vector<1x16xi32> to vector<16xi32>
      %swap3A_130 = vector.shape_cast %select_n3A_82 : vector<16xi32> to vector<1x16xi32>
      tpu.vector_store %arg13[%swap3A_126, %swap3A_127], %swap3A_130 {strides = array<i32>} : memref<79x128xi32, #tpu.memory_space<vmem>>, vector<1x16xi32>,
      %swap3A_131 = arith.index_cast %select_n3A_103 : i32 to index
      %swap3A_132 = arith.index_cast %mul3A_121 : i32 to index
      %swap3A_133 = tpu.vector_load %arg14[%swap3A_131, %swap3A_132] {strides = array<i32>} : memref<79x128xi32, #tpu.memory_space<vmem>>, vector<1x16xi32>,
      %swap3A_134 = vector.shape_cast %swap3A_133 : vector<1x16xi32> to vector<16xi32>
      %swap3A_135 = vector.shape_cast %select_n3A_85 : vector<16xi32> to vector<1x16xi32>
      tpu.vector_store %arg14[%swap3A_131, %swap3A_132], %swap3A_135 {strides = array<i32>} : memref<79x128xi32, #tpu.memory_space<vmem>>, vector<1x16xi32>,
      %scan3A_136 = arith.constant 0 : i32
      scf.yield %scan3A_136 : i32
    }
    %scan3A_46 = arith.constant 632 : i32
    "tpu.region"() ({
      %run_scoped3A = tpu.sem_alloc : memref<!tpu.dma_semaphore, #tpu.memory_space<semaphore_mem>>
      %dma_start3A = arith.constant 0 : i32
      %dma_start3A_55 = arith.constant 0 : i32
      %dma_start3A_56 = tpu.memref_slice %arg5[%add3A, %dma_start3A, %dma_start3A_55] : memref<32x79x128xi32, #tpu.memory_space<hbm>> -> memref<1x79x128xi32, #tpu.memory_space<hbm>>
      %dma_start3A_57 = tpu.memref_squeeze %dma_start3A_56 : memref<1x79x128xi32, #tpu.memory_space<hbm>> -> memref<79x128xi32, #tpu.memory_space<hbm>>
      %dma_start3A_58 = arith.constant 0 : i32
      %dma_start3A_59 = arith.constant 0 : i32
      %dma_start3A_60 = tpu.memref_slice %arg5[%add3A, %dma_start3A_58, %dma_start3A_59] : memref<32x79x128xi32, #tpu.memory_space<hbm>> -> memref<1x79x128xi32, #tpu.memory_space<hbm>>
      %dma_start3A_61 = tpu.memref_squeeze %dma_start3A_60 : memref<1x79x128xi32, #tpu.memory_space<hbm>> -> memref<79x128xi32, #tpu.memory_space<hbm>>
      tpu.enqueue_dma source(%arg12 : memref<79x128xi32, #tpu.memory_space<vmem>>) target(%dma_start3A_61 : memref<79x128xi32, #tpu.memory_space<hbm>>) target_semaphore(%run_scoped3A : memref<!tpu.dma_semaphore, #tpu.memory_space<semaphore_mem>>)
      %dma_wait3A = arith.constant 0 : i32
      %dma_wait3A_62 = arith.constant 0 : i32
      %dma_wait3A_63 = tpu.memref_slice %arg5[%add3A, %dma_wait3A, %dma_wait3A_62] : memref<32x79x128xi32, #tpu.memory_space<hbm>> -> memref<1x79x128xi32, #tpu.memory_space<hbm>>
      %dma_wait3A_64 = tpu.memref_squeeze %dma_wait3A_63 : memref<1x79x128xi32, #tpu.memory_space<hbm>> -> memref<79x128xi32, #tpu.memory_space<hbm>>
      %dma_wait3A_65 = arith.constant 0 : i32
      %dma_wait3A_66 = arith.constant 0 : i32
      %dma_wait3A_67 = tpu.memref_slice %arg5[%add3A, %dma_wait3A_65, %dma_wait3A_66] : memref<32x79x128xi32, #tpu.memory_space<hbm>> -> memref<1x79x128xi32, #tpu.memory_space<hbm>>
      %dma_wait3A_68 = tpu.memref_squeeze %dma_wait3A_67 : memref<1x79x128xi32, #tpu.memory_space<hbm>> -> memref<79x128xi32, #tpu.memory_space<hbm>>
      tpu.wait_dma2 semaphore(%run_scoped3A : memref<!tpu.dma_semaphore, #tpu.memory_space<semaphore_mem>>) src(%arg12 : memref<79x128xi32, #tpu.memory_space<vmem>>) dst(%dma_wait3A_68 : memref<79x128xi32, #tpu.memory_space<hbm>>)
      tpu.yield
    }) : () -> ()
    "tpu.region"() ({
      %run_scoped3A = tpu.sem_alloc : memref<!tpu.dma_semaphore, #tpu.memory_space<semaphore_mem>>
      %dma_start3A = arith.constant 0 : i32
      %dma_start3A_55 = arith.constant 0 : i32
      %dma_start3A_56 = tpu.memref_slice %arg6[%add3A, %dma_start3A, %dma_start3A_55] : memref<32x79x128xi32, #tpu.memory_space<hbm>> -> memref<1x79x128xi32, #tpu.memory_space<hbm>>
      %dma_start3A_57 = tpu.memref_squeeze %dma_start3A_56 : memref<1x79x128xi32, #tpu.memory_space<hbm>> -> memref<79x128xi32, #tpu.memory_space<hbm>>
      %dma_start3A_58 = arith.constant 0 : i32
      %dma_start3A_59 = arith.constant 0 : i32
      %dma_start3A_60 = tpu.memref_slice %arg6[%add3A, %dma_start3A_58, %dma_start3A_59] : memref<32x79x128xi32, #tpu.memory_space<hbm>> -> memref<1x79x128xi32, #tpu.memory_space<hbm>>
      %dma_start3A_61 = tpu.memref_squeeze %dma_start3A_60 : memref<1x79x128xi32, #tpu.memory_space<hbm>> -> memref<79x128xi32, #tpu.memory_space<hbm>>
      tpu.enqueue_dma source(%arg13 : memref<79x128xi32, #tpu.memory_space<vmem>>) target(%dma_start3A_61 : memref<79x128xi32, #tpu.memory_space<hbm>>) target_semaphore(%run_scoped3A : memref<!tpu.dma_semaphore, #tpu.memory_space<semaphore_mem>>)
      %dma_wait3A = arith.constant 0 : i32
      %dma_wait3A_62 = arith.constant 0 : i32
      %dma_wait3A_63 = tpu.memref_slice %arg6[%add3A, %dma_wait3A, %dma_wait3A_62] : memref<32x79x128xi32, #tpu.memory_space<hbm>> -> memref<1x79x128xi32, #tpu.memory_space<hbm>>
      %dma_wait3A_64 = tpu.memref_squeeze %dma_wait3A_63 : memref<1x79x128xi32, #tpu.memory_space<hbm>> -> memref<79x128xi32, #tpu.memory_space<hbm>>
      %dma_wait3A_65 = arith.constant 0 : i32
      %dma_wait3A_66 = arith.constant 0 : i32
      %dma_wait3A_67 = tpu.memref_slice %arg6[%add3A, %dma_wait3A_65, %dma_wait3A_66] : memref<32x79x128xi32, #tpu.memory_space<hbm>> -> memref<1x79x128xi32, #tpu.memory_space<hbm>>
      %dma_wait3A_68 = tpu.memref_squeeze %dma_wait3A_67 : memref<1x79x128xi32, #tpu.memory_space<hbm>> -> memref<79x128xi32, #tpu.memory_space<hbm>>
      tpu.wait_dma2 semaphore(%run_scoped3A : memref<!tpu.dma_semaphore, #tpu.memory_space<semaphore_mem>>) src(%arg13 : memref<79x128xi32, #tpu.memory_space<vmem>>) dst(%dma_wait3A_68 : memref<79x128xi32, #tpu.memory_space<hbm>>)
      tpu.yield
    }) : () -> ()
    "tpu.region"() ({
      %run_scoped3A = tpu.sem_alloc : memref<!tpu.dma_semaphore, #tpu.memory_space<semaphore_mem>>
      %dma_start3A = arith.constant 0 : i32
      %dma_start3A_55 = arith.constant 0 : i32
      %dma_start3A_56 = tpu.memref_slice %arg7[%add3A, %dma_start3A, %dma_start3A_55] : memref<32x79x128xi32, #tpu.memory_space<hbm>> -> memref<1x79x128xi32, #tpu.memory_space<hbm>>
      %dma_start3A_57 = tpu.memref_squeeze %dma_start3A_56 : memref<1x79x128xi32, #tpu.memory_space<hbm>> -> memref<79x128xi32, #tpu.memory_space<hbm>>
      %dma_start3A_58 = arith.constant 0 : i32
      %dma_start3A_59 = arith.constant 0 : i32
      %dma_start3A_60 = tpu.memref_slice %arg7[%add3A, %dma_start3A_58, %dma_start3A_59] : memref<32x79x128xi32, #tpu.memory_space<hbm>> -> memref<1x79x128xi32, #tpu.memory_space<hbm>>
      %dma_start3A_61 = tpu.memref_squeeze %dma_start3A_60 : memref<1x79x128xi32, #tpu.memory_space<hbm>> -> memref<79x128xi32, #tpu.memory_space<hbm>>
      tpu.enqueue_dma source(%arg14 : memref<79x128xi32, #tpu.memory_space<vmem>>) target(%dma_start3A_61 : memref<79x128xi32, #tpu.memory_space<hbm>>) target_semaphore(%run_scoped3A : memref<!tpu.dma_semaphore, #tpu.memory_space<semaphore_mem>>)
      %dma_wait3A = arith.constant 0 : i32
      %dma_wait3A_62 = arith.constant 0 : i32
      %dma_wait3A_63 = tpu.memref_slice %arg7[%add3A, %dma_wait3A, %dma_wait3A_62] : memref<32x79x128xi32, #tpu.memory_space<hbm>> -> memref<1x79x128xi32, #tpu.memory_space<hbm>>
      %dma_wait3A_64 = tpu.memref_squeeze %dma_wait3A_63 : memref<1x79x128xi32, #tpu.memory_space<hbm>> -> memref<79x128xi32, #tpu.memory_space<hbm>>
      %dma_wait3A_65 = arith.constant 0 : i32
      %dma_wait3A_66 = arith.constant 0 : i32
      %dma_wait3A_67 = tpu.memref_slice %arg7[%add3A, %dma_wait3A_65, %dma_wait3A_66] : memref<32x79x128xi32, #tpu.memory_space<hbm>> -> memref<1x79x128xi32, #tpu.memory_space<hbm>>
      %dma_wait3A_68 = tpu.memref_squeeze %dma_wait3A_67 : memref<1x79x128xi32, #tpu.memory_space<hbm>> -> memref<79x128xi32, #tpu.memory_space<hbm>>
      tpu.wait_dma2 semaphore(%run_scoped3A : memref<!tpu.dma_semaphore, #tpu.memory_space<semaphore_mem>>) src(%arg14 : memref<79x128xi32, #tpu.memory_space<vmem>>) dst(%dma_wait3A_68 : memref<79x128xi32, #tpu.memory_space<hbm>>)
      tpu.yield
    }) : () -> ()
    %barrier3A = arith.constant 0 : index
    tpu.barrier barrier_id(%barrier3A)
    %scan3A_47 = arith.constant 0 : i32
    %scan3A_48 = arith.constant 0 : i32
    %scan3A_49 = arith.constant 79 : i32
    %scan3A_50 = arith.addi %scan3A_48, %scan3A_49 : i32
    %scan3A_51 = arith.constant 1 : i32
    %scan3A_52 = scf.for %scan3A_55 = %scan3A_48 to %scan3A_50 step %scan3A_51 iter_args(%scan3A_56 = %scan3A_47) -> (i32)  : i32 {
      "tpu.region"() ({
        %run_scoped3A = tpu.sem_alloc : memref<!tpu.dma_semaphore, #tpu.memory_space<semaphore_mem>>
        %dma_start3A = arith.constant 0 : i32
        %dma_start3A_58 = tpu.memref_slice %arg13[%scan3A_55, %dma_start3A] : memref<79x128xi32, #tpu.memory_space<vmem>> -> memref<1x128xi32, #tpu.memory_space<vmem>>
        %dma_start3A_59 = tpu.memref_squeeze %dma_start3A_58 : memref<1x128xi32, #tpu.memory_space<vmem>> -> memref<128xi32, #tpu.memory_space<vmem>>
        %dma_start3A_60 = arith.constant 0 : i32
        %dma_start3A_61 = arith.constant 0 : i32
        %dma_start3A_62 = tpu.memref_slice %arg17[%dma_start3A_60, %dma_start3A_61] : memref<30080x16xf32, #tpu.memory_space<vmem_shared>> -> memref<30080x16xf32, #tpu.memory_space<vmem_shared>>
        tpu.enqueue_indirect_dma source(%arg15 : memref<128x16xf32, #tpu.memory_space<vmem>>) target(%dma_start3A_62 : memref<30080x16xf32, #tpu.memory_space<vmem_shared>>) offsets(%dma_start3A_59 : memref<128xi32, #tpu.memory_space<vmem>>) semaphore(%run_scoped3A : memref<!tpu.dma_semaphore, #tpu.memory_space<semaphore_mem>>) {add = true}
        %dma_wait3A = arith.constant 0 : i32
        %dma_wait3A_63 = tpu.memref_slice %arg13[%scan3A_55, %dma_wait3A] : memref<79x128xi32, #tpu.memory_space<vmem>> -> memref<1x128xi32, #tpu.memory_space<vmem>>
        %dma_wait3A_64 = tpu.memref_squeeze %dma_wait3A_63 : memref<1x128xi32, #tpu.memory_space<vmem>> -> memref<128xi32, #tpu.memory_space<vmem>>
        %dma_wait3A_65 = arith.constant 0 : i32
        %dma_wait3A_66 = arith.constant 0 : i32
        %dma_wait3A_67 = tpu.memref_slice %arg17[%dma_wait3A_65, %dma_wait3A_66] : memref<30080x16xf32, #tpu.memory_space<vmem_shared>> -> memref<30080x16xf32, #tpu.memory_space<vmem_shared>>
        tpu.wait_indirect_dma semaphore(%run_scoped3A : memref<!tpu.dma_semaphore, #tpu.memory_space<semaphore_mem>>) src(%arg15 : memref<128x16xf32, #tpu.memory_space<vmem>>) dst(%dma_wait3A_67 : memref<30080x16xf32, #tpu.memory_space<vmem_shared>>)
        tpu.yield
      }) : () -> ()
      %scan3A_57 = arith.constant 0 : i32
      scf.yield %scan3A_57 : i32
    }
    %scan3A_53 = arith.constant 79 : i32
    %barrier3A_54 = arith.constant 0 : index
    tpu.barrier barrier_id(%barrier3A_54)
    "tpu.region"() ({
      %run_scoped3A = tpu.sem_alloc : memref<!tpu.dma_semaphore, #tpu.memory_space<semaphore_mem>>
      %dma_start3A = arith.constant 0 : i32
      %dma_start3A_55 = tpu.memref_slice %arg8[%arg0, %mul3A_23, %dma_start3A] : memref<2x30080x16xf32, #tpu.memory_space<hbm>> -> memref<1x1880x16xf32, #tpu.memory_space<hbm>>
      %dma_start3A_56 = tpu.memref_squeeze %dma_start3A_55 : memref<1x1880x16xf32, #tpu.memory_space<hbm>> -> memref<1880x16xf32, #tpu.memory_space<hbm>>
      %dma_start3A_57 = arith.constant 0 : i32
      %dma_start3A_58 = tpu.memref_slice %arg17[%mul3A_23, %dma_start3A_57] : memref<30080x16xf32, #tpu.memory_space<vmem_shared>> -> memref<1880x16xf32, #tpu.memory_space<vmem_shared>>
      tpu.enqueue_dma source(%dma_start3A_58 : memref<1880x16xf32, #tpu.memory_space<vmem_shared>>) target(%dma_start3A_56 : memref<1880x16xf32, #tpu.memory_space<hbm>>) target_semaphore(%run_scoped3A : memref<!tpu.dma_semaphore, #tpu.memory_space<semaphore_mem>>)
      %dma_wait3A = arith.constant 0 : i32
      %dma_wait3A_59 = tpu.memref_slice %arg8[%arg0, %mul3A_23, %dma_wait3A] : memref<2x30080x16xf32, #tpu.memory_space<hbm>> -> memref<1x1880x16xf32, #tpu.memory_space<hbm>>
      %dma_wait3A_60 = tpu.memref_squeeze %dma_wait3A_59 : memref<1x1880x16xf32, #tpu.memory_space<hbm>> -> memref<1880x16xf32, #tpu.memory_space<hbm>>
      %dma_wait3A_61 = arith.constant 0 : i32
      %dma_wait3A_62 = tpu.memref_slice %arg17[%mul3A_23, %dma_wait3A_61] : memref<30080x16xf32, #tpu.memory_space<vmem_shared>> -> memref<1880x16xf32, #tpu.memory_space<vmem_shared>>
      tpu.wait_dma2 semaphore(%run_scoped3A : memref<!tpu.dma_semaphore, #tpu.memory_space<semaphore_mem>>) src(%dma_wait3A_62 : memref<1880x16xf32, #tpu.memory_space<vmem_shared>>) dst(%dma_wait3A_60 : memref<1880x16xf32, #tpu.memory_space<hbm>>)
      tpu.yield
    }) : () -> ()
    return
  }
}

#map = affine_map<(d0, d1) -> (0, 0)>
#map1 = affine_map<(d0, d1) -> (0, 0, 0)>
module attributes {stable_mosaic.version = 14 : i64} {
  func.func @rgcn_sc_feature(%arg0: i32, %arg1: i32, %arg2: memref<30000x64xf32, #tpu.memory_space<hbm>>, %arg3: memref<30080x64xf32, #tpu.memory_space<hbm>>, %arg4: memref<32x79x128xi32, #tpu.memory_space<hbm>>, %arg5: memref<32x79x128xi32, #tpu.memory_space<hbm>>, %arg6: memref<32x79x128xi32, #tpu.memory_space<hbm>>, %arg7: memref<2x10016x64xf32, #tpu.memory_space<hbm>>, %arg8: memref<79x128xi32, #tpu.memory_space<vmem>>, %arg9: memref<79x128xi32, #tpu.memory_space<vmem>>, %arg10: memref<79x128xi32, #tpu.memory_space<vmem>>, %arg11: memref<128x64xf32, #tpu.memory_space<vmem>>, %arg12: memref<128x64xf32, #tpu.memory_space<vmem>>, %arg13: memref<313x64xf32, #tpu.memory_space<vmem>>, %arg14: memref<10016x64xf32, #tpu.memory_space<vmem_shared>>, %arg15: memref<!tpu.dma_semaphore, #tpu.memory_space<semaphore_mem>>, %arg16: memref<!tpu.dma_semaphore, #tpu.memory_space<semaphore_mem>>) attributes {dimension_semantics = [#tpu.dimension_semantics<core_parallel>, #tpu.dimension_semantics<subcore_parallel>], iteration_bounds = array<i64: 2, 16>, scalar_prefetch = 0 : i64, scratch_operands = 9 : i64, tpu.core_type = #tpu.core_type<sc_vector_subcore>, window_params = [{transform_indices = #map}, {transform_indices = #map}, {transform_indices = #map1}, {transform_indices = #map1}, {transform_indices = #map1}, {transform_indices = #map1}]} {
    %mul3A = arith.constant 16 : i32
    %mul3A_0 = arith.muli %arg0, %mul3A : i32
    %add3A = arith.addi %mul3A_0, %arg1 : i32
    "tpu.region"() ({
      %run_scoped3A = tpu.sem_alloc : memref<!tpu.dma_semaphore, #tpu.memory_space<semaphore_mem>>
      %dma_start3A = arith.constant 0 : i32
      %dma_start3A_22 = arith.constant 0 : i32
      %dma_start3A_23 = tpu.memref_slice %arg4[%add3A, %dma_start3A, %dma_start3A_22] : memref<32x79x128xi32, #tpu.memory_space<hbm>> -> memref<1x79x128xi32, #tpu.memory_space<hbm>>
      %dma_start3A_24 = tpu.memref_squeeze %dma_start3A_23 : memref<1x79x128xi32, #tpu.memory_space<hbm>> -> memref<79x128xi32, #tpu.memory_space<hbm>>
      %dma_start3A_25 = arith.constant 0 : i32
      %dma_start3A_26 = arith.constant 0 : i32
      %dma_start3A_27 = tpu.memref_slice %arg4[%add3A, %dma_start3A_25, %dma_start3A_26] : memref<32x79x128xi32, #tpu.memory_space<hbm>> -> memref<1x79x128xi32, #tpu.memory_space<hbm>>
      %dma_start3A_28 = tpu.memref_squeeze %dma_start3A_27 : memref<1x79x128xi32, #tpu.memory_space<hbm>> -> memref<79x128xi32, #tpu.memory_space<hbm>>
      tpu.enqueue_dma source(%dma_start3A_28 : memref<79x128xi32, #tpu.memory_space<hbm>>) target(%arg8 : memref<79x128xi32, #tpu.memory_space<vmem>>) target_semaphore(%run_scoped3A : memref<!tpu.dma_semaphore, #tpu.memory_space<semaphore_mem>>)
      %dma_wait3A = arith.constant 0 : i32
      %dma_wait3A_29 = arith.constant 0 : i32
      %dma_wait3A_30 = tpu.memref_slice %arg4[%add3A, %dma_wait3A, %dma_wait3A_29] : memref<32x79x128xi32, #tpu.memory_space<hbm>> -> memref<1x79x128xi32, #tpu.memory_space<hbm>>
      %dma_wait3A_31 = tpu.memref_squeeze %dma_wait3A_30 : memref<1x79x128xi32, #tpu.memory_space<hbm>> -> memref<79x128xi32, #tpu.memory_space<hbm>>
      %dma_wait3A_32 = arith.constant 0 : i32
      %dma_wait3A_33 = arith.constant 0 : i32
      %dma_wait3A_34 = tpu.memref_slice %arg4[%add3A, %dma_wait3A_32, %dma_wait3A_33] : memref<32x79x128xi32, #tpu.memory_space<hbm>> -> memref<1x79x128xi32, #tpu.memory_space<hbm>>
      %dma_wait3A_35 = tpu.memref_squeeze %dma_wait3A_34 : memref<1x79x128xi32, #tpu.memory_space<hbm>> -> memref<79x128xi32, #tpu.memory_space<hbm>>
      tpu.wait_dma2 semaphore(%run_scoped3A : memref<!tpu.dma_semaphore, #tpu.memory_space<semaphore_mem>>) src(%dma_wait3A_35 : memref<79x128xi32, #tpu.memory_space<hbm>>) dst(%arg8 : memref<79x128xi32, #tpu.memory_space<vmem>>)
      tpu.yield
    }) : () -> ()
    "tpu.region"() ({
      %run_scoped3A = tpu.sem_alloc : memref<!tpu.dma_semaphore, #tpu.memory_space<semaphore_mem>>
      %dma_start3A = arith.constant 0 : i32
      %dma_start3A_22 = arith.constant 0 : i32
      %dma_start3A_23 = tpu.memref_slice %arg5[%add3A, %dma_start3A, %dma_start3A_22] : memref<32x79x128xi32, #tpu.memory_space<hbm>> -> memref<1x79x128xi32, #tpu.memory_space<hbm>>
      %dma_start3A_24 = tpu.memref_squeeze %dma_start3A_23 : memref<1x79x128xi32, #tpu.memory_space<hbm>> -> memref<79x128xi32, #tpu.memory_space<hbm>>
      %dma_start3A_25 = arith.constant 0 : i32
      %dma_start3A_26 = arith.constant 0 : i32
      %dma_start3A_27 = tpu.memref_slice %arg5[%add3A, %dma_start3A_25, %dma_start3A_26] : memref<32x79x128xi32, #tpu.memory_space<hbm>> -> memref<1x79x128xi32, #tpu.memory_space<hbm>>
      %dma_start3A_28 = tpu.memref_squeeze %dma_start3A_27 : memref<1x79x128xi32, #tpu.memory_space<hbm>> -> memref<79x128xi32, #tpu.memory_space<hbm>>
      tpu.enqueue_dma source(%dma_start3A_28 : memref<79x128xi32, #tpu.memory_space<hbm>>) target(%arg9 : memref<79x128xi32, #tpu.memory_space<vmem>>) target_semaphore(%run_scoped3A : memref<!tpu.dma_semaphore, #tpu.memory_space<semaphore_mem>>)
      %dma_wait3A = arith.constant 0 : i32
      %dma_wait3A_29 = arith.constant 0 : i32
      %dma_wait3A_30 = tpu.memref_slice %arg5[%add3A, %dma_wait3A, %dma_wait3A_29] : memref<32x79x128xi32, #tpu.memory_space<hbm>> -> memref<1x79x128xi32, #tpu.memory_space<hbm>>
      %dma_wait3A_31 = tpu.memref_squeeze %dma_wait3A_30 : memref<1x79x128xi32, #tpu.memory_space<hbm>> -> memref<79x128xi32, #tpu.memory_space<hbm>>
      %dma_wait3A_32 = arith.constant 0 : i32
      %dma_wait3A_33 = arith.constant 0 : i32
      %dma_wait3A_34 = tpu.memref_slice %arg5[%add3A, %dma_wait3A_32, %dma_wait3A_33] : memref<32x79x128xi32, #tpu.memory_space<hbm>> -> memref<1x79x128xi32, #tpu.memory_space<hbm>>
      %dma_wait3A_35 = tpu.memref_squeeze %dma_wait3A_34 : memref<1x79x128xi32, #tpu.memory_space<hbm>> -> memref<79x128xi32, #tpu.memory_space<hbm>>
      tpu.wait_dma2 semaphore(%run_scoped3A : memref<!tpu.dma_semaphore, #tpu.memory_space<semaphore_mem>>) src(%dma_wait3A_35 : memref<79x128xi32, #tpu.memory_space<hbm>>) dst(%arg9 : memref<79x128xi32, #tpu.memory_space<vmem>>)
      tpu.yield
    }) : () -> ()
    "tpu.region"() ({
      %run_scoped3A = tpu.sem_alloc : memref<!tpu.dma_semaphore, #tpu.memory_space<semaphore_mem>>
      %dma_start3A = arith.constant 0 : i32
      %dma_start3A_22 = arith.constant 0 : i32
      %dma_start3A_23 = tpu.memref_slice %arg6[%add3A, %dma_start3A, %dma_start3A_22] : memref<32x79x128xi32, #tpu.memory_space<hbm>> -> memref<1x79x128xi32, #tpu.memory_space<hbm>>
      %dma_start3A_24 = tpu.memref_squeeze %dma_start3A_23 : memref<1x79x128xi32, #tpu.memory_space<hbm>> -> memref<79x128xi32, #tpu.memory_space<hbm>>
      %dma_start3A_25 = arith.constant 0 : i32
      %dma_start3A_26 = arith.constant 0 : i32
      %dma_start3A_27 = tpu.memref_slice %arg6[%add3A, %dma_start3A_25, %dma_start3A_26] : memref<32x79x128xi32, #tpu.memory_space<hbm>> -> memref<1x79x128xi32, #tpu.memory_space<hbm>>
      %dma_start3A_28 = tpu.memref_squeeze %dma_start3A_27 : memref<1x79x128xi32, #tpu.memory_space<hbm>> -> memref<79x128xi32, #tpu.memory_space<hbm>>
      tpu.enqueue_dma source(%dma_start3A_28 : memref<79x128xi32, #tpu.memory_space<hbm>>) target(%arg10 : memref<79x128xi32, #tpu.memory_space<vmem>>) target_semaphore(%run_scoped3A : memref<!tpu.dma_semaphore, #tpu.memory_space<semaphore_mem>>)
      %dma_wait3A = arith.constant 0 : i32
      %dma_wait3A_29 = arith.constant 0 : i32
      %dma_wait3A_30 = tpu.memref_slice %arg6[%add3A, %dma_wait3A, %dma_wait3A_29] : memref<32x79x128xi32, #tpu.memory_space<hbm>> -> memref<1x79x128xi32, #tpu.memory_space<hbm>>
      %dma_wait3A_31 = tpu.memref_squeeze %dma_wait3A_30 : memref<1x79x128xi32, #tpu.memory_space<hbm>> -> memref<79x128xi32, #tpu.memory_space<hbm>>
      %dma_wait3A_32 = arith.constant 0 : i32
      %dma_wait3A_33 = arith.constant 0 : i32
      %dma_wait3A_34 = tpu.memref_slice %arg6[%add3A, %dma_wait3A_32, %dma_wait3A_33] : memref<32x79x128xi32, #tpu.memory_space<hbm>> -> memref<1x79x128xi32, #tpu.memory_space<hbm>>
      %dma_wait3A_35 = tpu.memref_squeeze %dma_wait3A_34 : memref<1x79x128xi32, #tpu.memory_space<hbm>> -> memref<79x128xi32, #tpu.memory_space<hbm>>
      tpu.wait_dma2 semaphore(%run_scoped3A : memref<!tpu.dma_semaphore, #tpu.memory_space<semaphore_mem>>) src(%dma_wait3A_35 : memref<79x128xi32, #tpu.memory_space<hbm>>) dst(%arg10 : memref<79x128xi32, #tpu.memory_space<vmem>>)
      tpu.yield
    }) : () -> ()
    %broadcast_in_dim3A = arith.constant 0.000000e+00 : f32
    %broadcast_in_dim3A_1 = vector.broadcast %broadcast_in_dim3A : f32 to vector<16xf32>
    %scan3A = arith.constant 0 : i32
    %scan3A_2 = arith.constant 0 : i32
    %scan3A_3 = arith.constant 313 : i32
    %scan3A_4 = arith.addi %scan3A_2, %scan3A_3 : i32
    %scan3A_5 = arith.constant 1 : i32
    %scan3A_6 = scf.for %scan3A_22 = %scan3A_2 to %scan3A_4 step %scan3A_5 iter_args(%scan3A_23 = %scan3A) -> (i32)  : i32 {
      %swap3A = arith.index_cast %scan3A_22 : i32 to index
      %swap3A_24 = arith.constant 0 : index
      %swap3A_25 = tpu.vector_load %arg13[%swap3A, %swap3A_24] {strides = array<i32>} : memref<313x64xf32, #tpu.memory_space<vmem>>, vector<1x16xf32>,
      %swap3A_26 = vector.shape_cast %swap3A_25 : vector<1x16xf32> to vector<16xf32>
      %swap3A_27 = vector.shape_cast %broadcast_in_dim3A_1 : vector<16xf32> to vector<1x16xf32>
      tpu.vector_store %arg13[%swap3A, %swap3A_24], %swap3A_27 {strides = array<i32>} : memref<313x64xf32, #tpu.memory_space<vmem>>, vector<1x16xf32>,
      %swap3A_28 = arith.index_cast %scan3A_22 : i32 to index
      %swap3A_29 = arith.constant 16 : index
      %swap3A_30 = tpu.vector_load %arg13[%swap3A_28, %swap3A_29] {strides = array<i32>} : memref<313x64xf32, #tpu.memory_space<vmem>>, vector<1x16xf32>,
      %swap3A_31 = vector.shape_cast %swap3A_30 : vector<1x16xf32> to vector<16xf32>
      %swap3A_32 = vector.shape_cast %broadcast_in_dim3A_1 : vector<16xf32> to vector<1x16xf32>
      tpu.vector_store %arg13[%swap3A_28, %swap3A_29], %swap3A_32 {strides = array<i32>} : memref<313x64xf32, #tpu.memory_space<vmem>>, vector<1x16xf32>,
      %swap3A_33 = arith.index_cast %scan3A_22 : i32 to index
      %swap3A_34 = arith.constant 32 : index
      %swap3A_35 = tpu.vector_load %arg13[%swap3A_33, %swap3A_34] {strides = array<i32>} : memref<313x64xf32, #tpu.memory_space<vmem>>, vector<1x16xf32>,
      %swap3A_36 = vector.shape_cast %swap3A_35 : vector<1x16xf32> to vector<16xf32>
      %swap3A_37 = vector.shape_cast %broadcast_in_dim3A_1 : vector<16xf32> to vector<1x16xf32>
      tpu.vector_store %arg13[%swap3A_33, %swap3A_34], %swap3A_37 {strides = array<i32>} : memref<313x64xf32, #tpu.memory_space<vmem>>, vector<1x16xf32>,
      %swap3A_38 = arith.index_cast %scan3A_22 : i32 to index
      %swap3A_39 = arith.constant 48 : index
      %swap3A_40 = tpu.vector_load %arg13[%swap3A_38, %swap3A_39] {strides = array<i32>} : memref<313x64xf32, #tpu.memory_space<vmem>>, vector<1x16xf32>,
      %swap3A_41 = vector.shape_cast %swap3A_40 : vector<1x16xf32> to vector<16xf32>
      %swap3A_42 = vector.shape_cast %broadcast_in_dim3A_1 : vector<16xf32> to vector<1x16xf32>
      tpu.vector_store %arg13[%swap3A_38, %swap3A_39], %swap3A_42 {strides = array<i32>} : memref<313x64xf32, #tpu.memory_space<vmem>>, vector<1x16xf32>,
      %scan3A_43 = arith.constant 0 : i32
      scf.yield %scan3A_43 : i32
    }
    %scan3A_7 = arith.constant 313 : i32
    %mul3A_8 = arith.constant 626 : i32
    %mul3A_9 = arith.muli %arg1, %mul3A_8 : i32
    %add3A_10 = arith.constant 0 : i32
    %add3A_11 = arith.addi %mul3A_9, %add3A_10 : i32
    "tpu.region"() ({
      %run_scoped3A = tpu.sem_alloc : memref<!tpu.dma_semaphore, #tpu.memory_space<semaphore_mem>>
      %dma_start3A = arith.constant 0 : i32
      %dma_start3A_22 = tpu.memref_slice %arg14[%add3A_11, %dma_start3A] : memref<10016x64xf32, #tpu.memory_space<vmem_shared>> -> memref<313x64xf32, #tpu.memory_space<vmem_shared>>
      %dma_start3A_23 = arith.constant 0 : i32
      %dma_start3A_24 = tpu.memref_slice %arg14[%add3A_11, %dma_start3A_23] : memref<10016x64xf32, #tpu.memory_space<vmem_shared>> -> memref<313x64xf32, #tpu.memory_space<vmem_shared>>
      tpu.enqueue_dma source(%arg13 : memref<313x64xf32, #tpu.memory_space<vmem>>) target(%dma_start3A_24 : memref<313x64xf32, #tpu.memory_space<vmem_shared>>) target_semaphore(%run_scoped3A : memref<!tpu.dma_semaphore, #tpu.memory_space<semaphore_mem>>)
      %dma_wait3A = arith.constant 0 : i32
      %dma_wait3A_25 = tpu.memref_slice %arg14[%add3A_11, %dma_wait3A] : memref<10016x64xf32, #tpu.memory_space<vmem_shared>> -> memref<313x64xf32, #tpu.memory_space<vmem_shared>>
      %dma_wait3A_26 = arith.constant 0 : i32
      %dma_wait3A_27 = tpu.memref_slice %arg14[%add3A_11, %dma_wait3A_26] : memref<10016x64xf32, #tpu.memory_space<vmem_shared>> -> memref<313x64xf32, #tpu.memory_space<vmem_shared>>
      tpu.wait_dma2 semaphore(%run_scoped3A : memref<!tpu.dma_semaphore, #tpu.memory_space<semaphore_mem>>) src(%arg13 : memref<313x64xf32, #tpu.memory_space<vmem>>) dst(%dma_wait3A_27 : memref<313x64xf32, #tpu.memory_space<vmem_shared>>)
      tpu.yield
    }) : () -> ()
    %add3A_12 = arith.constant 313 : i32
    %add3A_13 = arith.addi %mul3A_9, %add3A_12 : i32
    "tpu.region"() ({
      %run_scoped3A = tpu.sem_alloc : memref<!tpu.dma_semaphore, #tpu.memory_space<semaphore_mem>>
      %dma_start3A = arith.constant 0 : i32
      %dma_start3A_22 = tpu.memref_slice %arg14[%add3A_13, %dma_start3A] : memref<10016x64xf32, #tpu.memory_space<vmem_shared>> -> memref<313x64xf32, #tpu.memory_space<vmem_shared>>
      %dma_start3A_23 = arith.constant 0 : i32
      %dma_start3A_24 = tpu.memref_slice %arg14[%add3A_13, %dma_start3A_23] : memref<10016x64xf32, #tpu.memory_space<vmem_shared>> -> memref<313x64xf32, #tpu.memory_space<vmem_shared>>
      tpu.enqueue_dma source(%arg13 : memref<313x64xf32, #tpu.memory_space<vmem>>) target(%dma_start3A_24 : memref<313x64xf32, #tpu.memory_space<vmem_shared>>) target_semaphore(%run_scoped3A : memref<!tpu.dma_semaphore, #tpu.memory_space<semaphore_mem>>)
      %dma_wait3A = arith.constant 0 : i32
      %dma_wait3A_25 = tpu.memref_slice %arg14[%add3A_13, %dma_wait3A] : memref<10016x64xf32, #tpu.memory_space<vmem_shared>> -> memref<313x64xf32, #tpu.memory_space<vmem_shared>>
      %dma_wait3A_26 = arith.constant 0 : i32
      %dma_wait3A_27 = tpu.memref_slice %arg14[%add3A_13, %dma_wait3A_26] : memref<10016x64xf32, #tpu.memory_space<vmem_shared>> -> memref<313x64xf32, #tpu.memory_space<vmem_shared>>
      tpu.wait_dma2 semaphore(%run_scoped3A : memref<!tpu.dma_semaphore, #tpu.memory_space<semaphore_mem>>) src(%arg13 : memref<313x64xf32, #tpu.memory_space<vmem>>) dst(%dma_wait3A_27 : memref<313x64xf32, #tpu.memory_space<vmem_shared>>)
      tpu.yield
    }) : () -> ()
    %barrier3A = arith.constant 0 : index
    tpu.barrier barrier_id(%barrier3A)
    %scan3A_14 = arith.constant 0 : i32
    %scan3A_15 = arith.constant 0 : i32
    %scan3A_16 = arith.constant 79 : i32
    %scan3A_17 = arith.addi %scan3A_15, %scan3A_16 : i32
    %scan3A_18 = arith.constant 1 : i32
    %scan3A_19 = scf.for %scan3A_22 = %scan3A_15 to %scan3A_17 step %scan3A_18 iter_args(%scan3A_23 = %scan3A_14) -> (i32)  : i32 {
      %dma_start3A = arith.constant 0 : i32
      %dma_start3A_24 = tpu.memref_slice %arg8[%scan3A_22, %dma_start3A] : memref<79x128xi32, #tpu.memory_space<vmem>> -> memref<1x128xi32, #tpu.memory_space<vmem>>
      %dma_start3A_25 = tpu.memref_squeeze %dma_start3A_24 : memref<1x128xi32, #tpu.memory_space<vmem>> -> memref<128xi32, #tpu.memory_space<vmem>>
      %dma_start3A_26 = arith.constant 0 : i32
      %dma_start3A_27 = arith.constant 0 : i32
      %dma_start3A_28 = tpu.memref_slice %arg2[%dma_start3A_26, %dma_start3A_27] : memref<30000x64xf32, #tpu.memory_space<hbm>> -> memref<30000x64xf32, #tpu.memory_space<hbm>>
      tpu.enqueue_indirect_dma source(%dma_start3A_28 : memref<30000x64xf32, #tpu.memory_space<hbm>>) target(%arg11 : memref<128x64xf32, #tpu.memory_space<vmem>>) offsets(%dma_start3A_25 : memref<128xi32, #tpu.memory_space<vmem>>) semaphore(%arg15 : memref<!tpu.dma_semaphore, #tpu.memory_space<semaphore_mem>>)
      %dma_start3A_29 = arith.constant 0 : i32
      %dma_start3A_30 = tpu.memref_slice %arg9[%scan3A_22, %dma_start3A_29] : memref<79x128xi32, #tpu.memory_space<vmem>> -> memref<1x128xi32, #tpu.memory_space<vmem>>
      %dma_start3A_31 = tpu.memref_squeeze %dma_start3A_30 : memref<1x128xi32, #tpu.memory_space<vmem>> -> memref<128xi32, #tpu.memory_space<vmem>>
      %dma_start3A_32 = arith.constant 0 : i32
      %dma_start3A_33 = arith.constant 0 : i32
      %dma_start3A_34 = tpu.memref_slice %arg3[%dma_start3A_32, %dma_start3A_33] : memref<30080x64xf32, #tpu.memory_space<hbm>> -> memref<30080x64xf32, #tpu.memory_space<hbm>>
      tpu.enqueue_indirect_dma source(%dma_start3A_34 : memref<30080x64xf32, #tpu.memory_space<hbm>>) target(%arg12 : memref<128x64xf32, #tpu.memory_space<vmem>>) offsets(%dma_start3A_31 : memref<128xi32, #tpu.memory_space<vmem>>) semaphore(%arg16 : memref<!tpu.dma_semaphore, #tpu.memory_space<semaphore_mem>>)
      %dma_wait3A = arith.constant 0 : i32
      %dma_wait3A_35 = tpu.memref_slice %arg8[%scan3A_22, %dma_wait3A] : memref<79x128xi32, #tpu.memory_space<vmem>> -> memref<1x128xi32, #tpu.memory_space<vmem>>
      %dma_wait3A_36 = tpu.memref_squeeze %dma_wait3A_35 : memref<1x128xi32, #tpu.memory_space<vmem>> -> memref<128xi32, #tpu.memory_space<vmem>>
      %dma_wait3A_37 = arith.constant 0 : i32
      %dma_wait3A_38 = arith.constant 0 : i32
      %dma_wait3A_39 = tpu.memref_slice %arg2[%dma_wait3A_37, %dma_wait3A_38] : memref<30000x64xf32, #tpu.memory_space<hbm>> -> memref<30000x64xf32, #tpu.memory_space<hbm>>
      tpu.wait_indirect_dma semaphore(%arg15 : memref<!tpu.dma_semaphore, #tpu.memory_space<semaphore_mem>>) src(%dma_wait3A_39 : memref<30000x64xf32, #tpu.memory_space<hbm>>) dst(%arg11 : memref<128x64xf32, #tpu.memory_space<vmem>>)
      %dma_wait3A_40 = arith.constant 0 : i32
      %dma_wait3A_41 = tpu.memref_slice %arg9[%scan3A_22, %dma_wait3A_40] : memref<79x128xi32, #tpu.memory_space<vmem>> -> memref<1x128xi32, #tpu.memory_space<vmem>>
      %dma_wait3A_42 = tpu.memref_squeeze %dma_wait3A_41 : memref<1x128xi32, #tpu.memory_space<vmem>> -> memref<128xi32, #tpu.memory_space<vmem>>
      %dma_wait3A_43 = arith.constant 0 : i32
      %dma_wait3A_44 = arith.constant 0 : i32
      %dma_wait3A_45 = tpu.memref_slice %arg3[%dma_wait3A_43, %dma_wait3A_44] : memref<30080x64xf32, #tpu.memory_space<hbm>> -> memref<30080x64xf32, #tpu.memory_space<hbm>>
      tpu.wait_indirect_dma semaphore(%arg16 : memref<!tpu.dma_semaphore, #tpu.memory_space<semaphore_mem>>) src(%dma_wait3A_45 : memref<30080x64xf32, #tpu.memory_space<hbm>>) dst(%arg12 : memref<128x64xf32, #tpu.memory_space<vmem>>)
      %scan3A_46 = arith.constant 0 : i32
      %scan3A_47 = arith.constant 0 : i32
      %scan3A_48 = arith.constant 128 : i32
      %scan3A_49 = arith.addi %scan3A_47, %scan3A_48 : i32
      %scan3A_50 = arith.constant 1 : i32
      %scan3A_51 = scf.for %scan3A_54 = %scan3A_47 to %scan3A_49 step %scan3A_50 iter_args(%scan3A_55 = %scan3A_46) -> (i32)  : i32 {
        %get3A = arith.index_cast %scan3A_54 : i32 to index
        %get3A_56 = arith.constant 0 : index
        %get3A_57 = tpu.vector_load %arg11[%get3A, %get3A_56] {strides = array<i32>} : memref<128x64xf32, #tpu.memory_space<vmem>>, vector<1x16xf32>,
        %get3A_58 = vector.shape_cast %get3A_57 : vector<1x16xf32> to vector<16xf32>
        %get3A_59 = arith.index_cast %scan3A_54 : i32 to index
        %get3A_60 = arith.constant 0 : index
        %get3A_61 = tpu.vector_load %arg12[%get3A_59, %get3A_60] {strides = array<i32>} : memref<128x64xf32, #tpu.memory_space<vmem>>, vector<1x16xf32>,
        %get3A_62 = vector.shape_cast %get3A_61 : vector<1x16xf32> to vector<16xf32>
        %mul3A_63 = arith.mulf %get3A_58, %get3A_62 : vector<16xf32>
        %swap3A = arith.index_cast %scan3A_54 : i32 to index
        %swap3A_64 = arith.constant 0 : index
        %swap3A_65 = tpu.vector_load %arg11[%swap3A, %swap3A_64] {strides = array<i32>} : memref<128x64xf32, #tpu.memory_space<vmem>>, vector<1x16xf32>,
        %swap3A_66 = vector.shape_cast %swap3A_65 : vector<1x16xf32> to vector<16xf32>
        %swap3A_67 = vector.shape_cast %mul3A_63 : vector<16xf32> to vector<1x16xf32>
        tpu.vector_store %arg11[%swap3A, %swap3A_64], %swap3A_67 {strides = array<i32>} : memref<128x64xf32, #tpu.memory_space<vmem>>, vector<1x16xf32>,
        %get3A_68 = arith.index_cast %scan3A_54 : i32 to index
        %get3A_69 = arith.constant 16 : index
        %get3A_70 = tpu.vector_load %arg11[%get3A_68, %get3A_69] {strides = array<i32>} : memref<128x64xf32, #tpu.memory_space<vmem>>, vector<1x16xf32>,
        %get3A_71 = vector.shape_cast %get3A_70 : vector<1x16xf32> to vector<16xf32>
        %get3A_72 = arith.index_cast %scan3A_54 : i32 to index
        %get3A_73 = arith.constant 16 : index
        %get3A_74 = tpu.vector_load %arg12[%get3A_72, %get3A_73] {strides = array<i32>} : memref<128x64xf32, #tpu.memory_space<vmem>>, vector<1x16xf32>,
        %get3A_75 = vector.shape_cast %get3A_74 : vector<1x16xf32> to vector<16xf32>
        %mul3A_76 = arith.mulf %get3A_71, %get3A_75 : vector<16xf32>
        %swap3A_77 = arith.index_cast %scan3A_54 : i32 to index
        %swap3A_78 = arith.constant 16 : index
        %swap3A_79 = tpu.vector_load %arg11[%swap3A_77, %swap3A_78] {strides = array<i32>} : memref<128x64xf32, #tpu.memory_space<vmem>>, vector<1x16xf32>,
        %swap3A_80 = vector.shape_cast %swap3A_79 : vector<1x16xf32> to vector<16xf32>
        %swap3A_81 = vector.shape_cast %mul3A_76 : vector<16xf32> to vector<1x16xf32>
        tpu.vector_store %arg11[%swap3A_77, %swap3A_78], %swap3A_81 {strides = array<i32>} : memref<128x64xf32, #tpu.memory_space<vmem>>, vector<1x16xf32>,
        %get3A_82 = arith.index_cast %scan3A_54 : i32 to index
        %get3A_83 = arith.constant 32 : index
        %get3A_84 = tpu.vector_load %arg11[%get3A_82, %get3A_83] {strides = array<i32>} : memref<128x64xf32, #tpu.memory_space<vmem>>, vector<1x16xf32>,
        %get3A_85 = vector.shape_cast %get3A_84 : vector<1x16xf32> to vector<16xf32>
        %get3A_86 = arith.index_cast %scan3A_54 : i32 to index
        %get3A_87 = arith.constant 32 : index
        %get3A_88 = tpu.vector_load %arg12[%get3A_86, %get3A_87] {strides = array<i32>} : memref<128x64xf32, #tpu.memory_space<vmem>>, vector<1x16xf32>,
        %get3A_89 = vector.shape_cast %get3A_88 : vector<1x16xf32> to vector<16xf32>
        %mul3A_90 = arith.mulf %get3A_85, %get3A_89 : vector<16xf32>
        %swap3A_91 = arith.index_cast %scan3A_54 : i32 to index
        %swap3A_92 = arith.constant 32 : index
        %swap3A_93 = tpu.vector_load %arg11[%swap3A_91, %swap3A_92] {strides = array<i32>} : memref<128x64xf32, #tpu.memory_space<vmem>>, vector<1x16xf32>,
        %swap3A_94 = vector.shape_cast %swap3A_93 : vector<1x16xf32> to vector<16xf32>
        %swap3A_95 = vector.shape_cast %mul3A_90 : vector<16xf32> to vector<1x16xf32>
        tpu.vector_store %arg11[%swap3A_91, %swap3A_92], %swap3A_95 {strides = array<i32>} : memref<128x64xf32, #tpu.memory_space<vmem>>, vector<1x16xf32>,
        %get3A_96 = arith.index_cast %scan3A_54 : i32 to index
        %get3A_97 = arith.constant 48 : index
        %get3A_98 = tpu.vector_load %arg11[%get3A_96, %get3A_97] {strides = array<i32>} : memref<128x64xf32, #tpu.memory_space<vmem>>, vector<1x16xf32>,
        %get3A_99 = vector.shape_cast %get3A_98 : vector<1x16xf32> to vector<16xf32>
        %get3A_100 = arith.index_cast %scan3A_54 : i32 to index
        %get3A_101 = arith.constant 48 : index
        %get3A_102 = tpu.vector_load %arg12[%get3A_100, %get3A_101] {strides = array<i32>} : memref<128x64xf32, #tpu.memory_space<vmem>>, vector<1x16xf32>,
        %get3A_103 = vector.shape_cast %get3A_102 : vector<1x16xf32> to vector<16xf32>
        %mul3A_104 = arith.mulf %get3A_99, %get3A_103 : vector<16xf32>
        %swap3A_105 = arith.index_cast %scan3A_54 : i32 to index
        %swap3A_106 = arith.constant 48 : index
        %swap3A_107 = tpu.vector_load %arg11[%swap3A_105, %swap3A_106] {strides = array<i32>} : memref<128x64xf32, #tpu.memory_space<vmem>>, vector<1x16xf32>,
        %swap3A_108 = vector.shape_cast %swap3A_107 : vector<1x16xf32> to vector<16xf32>
        %swap3A_109 = vector.shape_cast %mul3A_104 : vector<16xf32> to vector<1x16xf32>
        tpu.vector_store %arg11[%swap3A_105, %swap3A_106], %swap3A_109 {strides = array<i32>} : memref<128x64xf32, #tpu.memory_space<vmem>>, vector<1x16xf32>,
        %scan3A_110 = arith.constant 0 : i32
        scf.yield %scan3A_110 : i32
      }
      %scan3A_52 = arith.constant 128 : i32
      "tpu.region"() ({
        %run_scoped3A = tpu.sem_alloc : memref<!tpu.dma_semaphore, #tpu.memory_space<semaphore_mem>>
        %dma_start3A_54 = arith.constant 0 : i32
        %dma_start3A_55 = tpu.memref_slice %arg10[%scan3A_22, %dma_start3A_54] : memref<79x128xi32, #tpu.memory_space<vmem>> -> memref<1x128xi32, #tpu.memory_space<vmem>>
        %dma_start3A_56 = tpu.memref_squeeze %dma_start3A_55 : memref<1x128xi32, #tpu.memory_space<vmem>> -> memref<128xi32, #tpu.memory_space<vmem>>
        %dma_start3A_57 = arith.constant 0 : i32
        %dma_start3A_58 = arith.constant 0 : i32
        %dma_start3A_59 = tpu.memref_slice %arg14[%dma_start3A_57, %dma_start3A_58] : memref<10016x64xf32, #tpu.memory_space<vmem_shared>> -> memref<10016x64xf32, #tpu.memory_space<vmem_shared>>
        tpu.enqueue_indirect_dma source(%arg11 : memref<128x64xf32, #tpu.memory_space<vmem>>) target(%dma_start3A_59 : memref<10016x64xf32, #tpu.memory_space<vmem_shared>>) offsets(%dma_start3A_56 : memref<128xi32, #tpu.memory_space<vmem>>) semaphore(%run_scoped3A : memref<!tpu.dma_semaphore, #tpu.memory_space<semaphore_mem>>) {add = true}
        %dma_wait3A_60 = arith.constant 0 : i32
        %dma_wait3A_61 = tpu.memref_slice %arg10[%scan3A_22, %dma_wait3A_60] : memref<79x128xi32, #tpu.memory_space<vmem>> -> memref<1x128xi32, #tpu.memory_space<vmem>>
        %dma_wait3A_62 = tpu.memref_squeeze %dma_wait3A_61 : memref<1x128xi32, #tpu.memory_space<vmem>> -> memref<128xi32, #tpu.memory_space<vmem>>
        %dma_wait3A_63 = arith.constant 0 : i32
        %dma_wait3A_64 = arith.constant 0 : i32
        %dma_wait3A_65 = tpu.memref_slice %arg14[%dma_wait3A_63, %dma_wait3A_64] : memref<10016x64xf32, #tpu.memory_space<vmem_shared>> -> memref<10016x64xf32, #tpu.memory_space<vmem_shared>>
        tpu.wait_indirect_dma semaphore(%run_scoped3A : memref<!tpu.dma_semaphore, #tpu.memory_space<semaphore_mem>>) src(%arg11 : memref<128x64xf32, #tpu.memory_space<vmem>>) dst(%dma_wait3A_65 : memref<10016x64xf32, #tpu.memory_space<vmem_shared>>)
        tpu.yield
      }) : () -> ()
      %scan3A_53 = arith.constant 0 : i32
      scf.yield %scan3A_53 : i32
    }
    %scan3A_20 = arith.constant 79 : i32
    %barrier3A_21 = arith.constant 0 : index
    tpu.barrier barrier_id(%barrier3A_21)
    "tpu.region"() ({
      %run_scoped3A = tpu.sem_alloc : memref<!tpu.dma_semaphore, #tpu.memory_space<semaphore_mem>>
      %dma_start3A = arith.constant 0 : i32
      %dma_start3A_22 = tpu.memref_slice %arg7[%arg0, %mul3A_9, %dma_start3A] : memref<2x10016x64xf32, #tpu.memory_space<hbm>> -> memref<1x626x64xf32, #tpu.memory_space<hbm>>
      %dma_start3A_23 = tpu.memref_squeeze %dma_start3A_22 : memref<1x626x64xf32, #tpu.memory_space<hbm>> -> memref<626x64xf32, #tpu.memory_space<hbm>>
      %dma_start3A_24 = arith.constant 0 : i32
      %dma_start3A_25 = tpu.memref_slice %arg14[%mul3A_9, %dma_start3A_24] : memref<10016x64xf32, #tpu.memory_space<vmem_shared>> -> memref<626x64xf32, #tpu.memory_space<vmem_shared>>
      tpu.enqueue_dma source(%dma_start3A_25 : memref<626x64xf32, #tpu.memory_space<vmem_shared>>) target(%dma_start3A_23 : memref<626x64xf32, #tpu.memory_space<hbm>>) target_semaphore(%run_scoped3A : memref<!tpu.dma_semaphore, #tpu.memory_space<semaphore_mem>>)
      %dma_wait3A = arith.constant 0 : i32
      %dma_wait3A_26 = tpu.memref_slice %arg7[%arg0, %mul3A_9, %dma_wait3A] : memref<2x10016x64xf32, #tpu.memory_space<hbm>> -> memref<1x626x64xf32, #tpu.memory_space<hbm>>
      %dma_wait3A_27 = tpu.memref_squeeze %dma_wait3A_26 : memref<1x626x64xf32, #tpu.memory_space<hbm>> -> memref<626x64xf32, #tpu.memory_space<hbm>>
      %dma_wait3A_28 = arith.constant 0 : i32
      %dma_wait3A_29 = tpu.memref_slice %arg14[%mul3A_9, %dma_wait3A_28] : memref<10016x64xf32, #tpu.memory_space<vmem_shared>> -> memref<626x64xf32, #tpu.memory_space<vmem_shared>>
      tpu.wait_dma2 semaphore(%run_scoped3A : memref<!tpu.dma_semaphore, #tpu.memory_space<semaphore_mem>>) src(%dma_wait3A_29 : memref<626x64xf32, #tpu.memory_space<vmem_shared>>) dst(%dma_wait3A_27 : memref<626x64xf32, #tpu.memory_space<hbm>>)
      tpu.yield
    }) : () -> ()
    return
  }
}

#map = affine_map<(d0, d1) -> (0, 0)>
#map1 = affine_map<(d0, d1) -> (0, 0, 0)>
module attributes {stable_mosaic.version = 14 : i64} {
  func.func @rgcn_sc_feature(%arg0: i32, %arg1: i32, %arg2: memref<30000x64xf32, #tpu.memory_space<hbm>>, %arg3: memref<30080x64xf32, #tpu.memory_space<hbm>>, %arg4: memref<32x79x128xi32, #tpu.memory_space<hbm>>, %arg5: memref<32x79x128xi32, #tpu.memory_space<hbm>>, %arg6: memref<32x79x128xi32, #tpu.memory_space<hbm>>, %arg7: memref<2x10016x64xf32, #tpu.memory_space<hbm>>, %arg8: memref<79x128xi32, #tpu.memory_space<vmem>>, %arg9: memref<79x128xi32, #tpu.memory_space<vmem>>, %arg10: memref<79x128xi32, #tpu.memory_space<vmem>>, %arg11: memref<128x64xf32, #tpu.memory_space<vmem>>, %arg12: memref<128x64xf32, #tpu.memory_space<vmem>>, %arg13: memref<313x64xf32, #tpu.memory_space<vmem>>, %arg14: memref<10016x64xf32, #tpu.memory_space<vmem_shared>>, %arg15: memref<!tpu.dma_semaphore, #tpu.memory_space<semaphore_mem>>, %arg16: memref<!tpu.dma_semaphore, #tpu.memory_space<semaphore_mem>>) attributes {dimension_semantics = [#tpu.dimension_semantics<core_parallel>, #tpu.dimension_semantics<subcore_parallel>], iteration_bounds = array<i64: 2, 16>, scalar_prefetch = 0 : i64, scratch_operands = 9 : i64, tpu.core_type = #tpu.core_type<sc_vector_subcore>, window_params = [{transform_indices = #map}, {transform_indices = #map}, {transform_indices = #map1}, {transform_indices = #map1}, {transform_indices = #map1}, {transform_indices = #map1}]} {
    %mul3A = arith.constant 16 : i32
    %mul3A_0 = arith.muli %arg0, %mul3A : i32
    %add3A = arith.addi %mul3A_0, %arg1 : i32
    "tpu.region"() ({
      %run_scoped3A = tpu.sem_alloc : memref<!tpu.dma_semaphore, #tpu.memory_space<semaphore_mem>>
      %dma_start3A = arith.constant 0 : i32
      %dma_start3A_22 = arith.constant 0 : i32
      %dma_start3A_23 = tpu.memref_slice %arg4[%add3A, %dma_start3A, %dma_start3A_22] : memref<32x79x128xi32, #tpu.memory_space<hbm>> -> memref<1x79x128xi32, #tpu.memory_space<hbm>>
      %dma_start3A_24 = tpu.memref_squeeze %dma_start3A_23 : memref<1x79x128xi32, #tpu.memory_space<hbm>> -> memref<79x128xi32, #tpu.memory_space<hbm>>
      %dma_start3A_25 = arith.constant 0 : i32
      %dma_start3A_26 = arith.constant 0 : i32
      %dma_start3A_27 = tpu.memref_slice %arg4[%add3A, %dma_start3A_25, %dma_start3A_26] : memref<32x79x128xi32, #tpu.memory_space<hbm>> -> memref<1x79x128xi32, #tpu.memory_space<hbm>>
      %dma_start3A_28 = tpu.memref_squeeze %dma_start3A_27 : memref<1x79x128xi32, #tpu.memory_space<hbm>> -> memref<79x128xi32, #tpu.memory_space<hbm>>
      tpu.enqueue_dma source(%dma_start3A_28 : memref<79x128xi32, #tpu.memory_space<hbm>>) target(%arg8 : memref<79x128xi32, #tpu.memory_space<vmem>>) target_semaphore(%run_scoped3A : memref<!tpu.dma_semaphore, #tpu.memory_space<semaphore_mem>>)
      %dma_wait3A = arith.constant 0 : i32
      %dma_wait3A_29 = arith.constant 0 : i32
      %dma_wait3A_30 = tpu.memref_slice %arg4[%add3A, %dma_wait3A, %dma_wait3A_29] : memref<32x79x128xi32, #tpu.memory_space<hbm>> -> memref<1x79x128xi32, #tpu.memory_space<hbm>>
      %dma_wait3A_31 = tpu.memref_squeeze %dma_wait3A_30 : memref<1x79x128xi32, #tpu.memory_space<hbm>> -> memref<79x128xi32, #tpu.memory_space<hbm>>
      %dma_wait3A_32 = arith.constant 0 : i32
      %dma_wait3A_33 = arith.constant 0 : i32
      %dma_wait3A_34 = tpu.memref_slice %arg4[%add3A, %dma_wait3A_32, %dma_wait3A_33] : memref<32x79x128xi32, #tpu.memory_space<hbm>> -> memref<1x79x128xi32, #tpu.memory_space<hbm>>
      %dma_wait3A_35 = tpu.memref_squeeze %dma_wait3A_34 : memref<1x79x128xi32, #tpu.memory_space<hbm>> -> memref<79x128xi32, #tpu.memory_space<hbm>>
      tpu.wait_dma2 semaphore(%run_scoped3A : memref<!tpu.dma_semaphore, #tpu.memory_space<semaphore_mem>>) src(%dma_wait3A_35 : memref<79x128xi32, #tpu.memory_space<hbm>>) dst(%arg8 : memref<79x128xi32, #tpu.memory_space<vmem>>)
      tpu.yield
    }) : () -> ()
    "tpu.region"() ({
      %run_scoped3A = tpu.sem_alloc : memref<!tpu.dma_semaphore, #tpu.memory_space<semaphore_mem>>
      %dma_start3A = arith.constant 0 : i32
      %dma_start3A_22 = arith.constant 0 : i32
      %dma_start3A_23 = tpu.memref_slice %arg5[%add3A, %dma_start3A, %dma_start3A_22] : memref<32x79x128xi32, #tpu.memory_space<hbm>> -> memref<1x79x128xi32, #tpu.memory_space<hbm>>
      %dma_start3A_24 = tpu.memref_squeeze %dma_start3A_23 : memref<1x79x128xi32, #tpu.memory_space<hbm>> -> memref<79x128xi32, #tpu.memory_space<hbm>>
      %dma_start3A_25 = arith.constant 0 : i32
      %dma_start3A_26 = arith.constant 0 : i32
      %dma_start3A_27 = tpu.memref_slice %arg5[%add3A, %dma_start3A_25, %dma_start3A_26] : memref<32x79x128xi32, #tpu.memory_space<hbm>> -> memref<1x79x128xi32, #tpu.memory_space<hbm>>
      %dma_start3A_28 = tpu.memref_squeeze %dma_start3A_27 : memref<1x79x128xi32, #tpu.memory_space<hbm>> -> memref<79x128xi32, #tpu.memory_space<hbm>>
      tpu.enqueue_dma source(%dma_start3A_28 : memref<79x128xi32, #tpu.memory_space<hbm>>) target(%arg9 : memref<79x128xi32, #tpu.memory_space<vmem>>) target_semaphore(%run_scoped3A : memref<!tpu.dma_semaphore, #tpu.memory_space<semaphore_mem>>)
      %dma_wait3A = arith.constant 0 : i32
      %dma_wait3A_29 = arith.constant 0 : i32
      %dma_wait3A_30 = tpu.memref_slice %arg5[%add3A, %dma_wait3A, %dma_wait3A_29] : memref<32x79x128xi32, #tpu.memory_space<hbm>> -> memref<1x79x128xi32, #tpu.memory_space<hbm>>
      %dma_wait3A_31 = tpu.memref_squeeze %dma_wait3A_30 : memref<1x79x128xi32, #tpu.memory_space<hbm>> -> memref<79x128xi32, #tpu.memory_space<hbm>>
      %dma_wait3A_32 = arith.constant 0 : i32
      %dma_wait3A_33 = arith.constant 0 : i32
      %dma_wait3A_34 = tpu.memref_slice %arg5[%add3A, %dma_wait3A_32, %dma_wait3A_33] : memref<32x79x128xi32, #tpu.memory_space<hbm>> -> memref<1x79x128xi32, #tpu.memory_space<hbm>>
      %dma_wait3A_35 = tpu.memref_squeeze %dma_wait3A_34 : memref<1x79x128xi32, #tpu.memory_space<hbm>> -> memref<79x128xi32, #tpu.memory_space<hbm>>
      tpu.wait_dma2 semaphore(%run_scoped3A : memref<!tpu.dma_semaphore, #tpu.memory_space<semaphore_mem>>) src(%dma_wait3A_35 : memref<79x128xi32, #tpu.memory_space<hbm>>) dst(%arg9 : memref<79x128xi32, #tpu.memory_space<vmem>>)
      tpu.yield
    }) : () -> ()
    "tpu.region"() ({
      %run_scoped3A = tpu.sem_alloc : memref<!tpu.dma_semaphore, #tpu.memory_space<semaphore_mem>>
      %dma_start3A = arith.constant 0 : i32
      %dma_start3A_22 = arith.constant 0 : i32
      %dma_start3A_23 = tpu.memref_slice %arg6[%add3A, %dma_start3A, %dma_start3A_22] : memref<32x79x128xi32, #tpu.memory_space<hbm>> -> memref<1x79x128xi32, #tpu.memory_space<hbm>>
      %dma_start3A_24 = tpu.memref_squeeze %dma_start3A_23 : memref<1x79x128xi32, #tpu.memory_space<hbm>> -> memref<79x128xi32, #tpu.memory_space<hbm>>
      %dma_start3A_25 = arith.constant 0 : i32
      %dma_start3A_26 = arith.constant 0 : i32
      %dma_start3A_27 = tpu.memref_slice %arg6[%add3A, %dma_start3A_25, %dma_start3A_26] : memref<32x79x128xi32, #tpu.memory_space<hbm>> -> memref<1x79x128xi32, #tpu.memory_space<hbm>>
      %dma_start3A_28 = tpu.memref_squeeze %dma_start3A_27 : memref<1x79x128xi32, #tpu.memory_space<hbm>> -> memref<79x128xi32, #tpu.memory_space<hbm>>
      tpu.enqueue_dma source(%dma_start3A_28 : memref<79x128xi32, #tpu.memory_space<hbm>>) target(%arg10 : memref<79x128xi32, #tpu.memory_space<vmem>>) target_semaphore(%run_scoped3A : memref<!tpu.dma_semaphore, #tpu.memory_space<semaphore_mem>>)
      %dma_wait3A = arith.constant 0 : i32
      %dma_wait3A_29 = arith.constant 0 : i32
      %dma_wait3A_30 = tpu.memref_slice %arg6[%add3A, %dma_wait3A, %dma_wait3A_29] : memref<32x79x128xi32, #tpu.memory_space<hbm>> -> memref<1x79x128xi32, #tpu.memory_space<hbm>>
      %dma_wait3A_31 = tpu.memref_squeeze %dma_wait3A_30 : memref<1x79x128xi32, #tpu.memory_space<hbm>> -> memref<79x128xi32, #tpu.memory_space<hbm>>
      %dma_wait3A_32 = arith.constant 0 : i32
      %dma_wait3A_33 = arith.constant 0 : i32
      %dma_wait3A_34 = tpu.memref_slice %arg6[%add3A, %dma_wait3A_32, %dma_wait3A_33] : memref<32x79x128xi32, #tpu.memory_space<hbm>> -> memref<1x79x128xi32, #tpu.memory_space<hbm>>
      %dma_wait3A_35 = tpu.memref_squeeze %dma_wait3A_34 : memref<1x79x128xi32, #tpu.memory_space<hbm>> -> memref<79x128xi32, #tpu.memory_space<hbm>>
      tpu.wait_dma2 semaphore(%run_scoped3A : memref<!tpu.dma_semaphore, #tpu.memory_space<semaphore_mem>>) src(%dma_wait3A_35 : memref<79x128xi32, #tpu.memory_space<hbm>>) dst(%arg10 : memref<79x128xi32, #tpu.memory_space<vmem>>)
      tpu.yield
    }) : () -> ()
    %broadcast_in_dim3A = arith.constant 0.000000e+00 : f32
    %broadcast_in_dim3A_1 = vector.broadcast %broadcast_in_dim3A : f32 to vector<16xf32>
    %scan3A = arith.constant 0 : i32
    %scan3A_2 = arith.constant 0 : i32
    %scan3A_3 = arith.constant 313 : i32
    %scan3A_4 = arith.addi %scan3A_2, %scan3A_3 : i32
    %scan3A_5 = arith.constant 1 : i32
    %scan3A_6 = scf.for %scan3A_22 = %scan3A_2 to %scan3A_4 step %scan3A_5 iter_args(%scan3A_23 = %scan3A) -> (i32)  : i32 {
      %swap3A = arith.index_cast %scan3A_22 : i32 to index
      %swap3A_24 = arith.constant 0 : index
      %swap3A_25 = tpu.vector_load %arg13[%swap3A, %swap3A_24] {strides = array<i32>} : memref<313x64xf32, #tpu.memory_space<vmem>>, vector<1x16xf32>,
      %swap3A_26 = vector.shape_cast %swap3A_25 : vector<1x16xf32> to vector<16xf32>
      %swap3A_27 = vector.shape_cast %broadcast_in_dim3A_1 : vector<16xf32> to vector<1x16xf32>
      tpu.vector_store %arg13[%swap3A, %swap3A_24], %swap3A_27 {strides = array<i32>} : memref<313x64xf32, #tpu.memory_space<vmem>>, vector<1x16xf32>,
      %swap3A_28 = arith.index_cast %scan3A_22 : i32 to index
      %swap3A_29 = arith.constant 16 : index
      %swap3A_30 = tpu.vector_load %arg13[%swap3A_28, %swap3A_29] {strides = array<i32>} : memref<313x64xf32, #tpu.memory_space<vmem>>, vector<1x16xf32>,
      %swap3A_31 = vector.shape_cast %swap3A_30 : vector<1x16xf32> to vector<16xf32>
      %swap3A_32 = vector.shape_cast %broadcast_in_dim3A_1 : vector<16xf32> to vector<1x16xf32>
      tpu.vector_store %arg13[%swap3A_28, %swap3A_29], %swap3A_32 {strides = array<i32>} : memref<313x64xf32, #tpu.memory_space<vmem>>, vector<1x16xf32>,
      %swap3A_33 = arith.index_cast %scan3A_22 : i32 to index
      %swap3A_34 = arith.constant 32 : index
      %swap3A_35 = tpu.vector_load %arg13[%swap3A_33, %swap3A_34] {strides = array<i32>} : memref<313x64xf32, #tpu.memory_space<vmem>>, vector<1x16xf32>,
      %swap3A_36 = vector.shape_cast %swap3A_35 : vector<1x16xf32> to vector<16xf32>
      %swap3A_37 = vector.shape_cast %broadcast_in_dim3A_1 : vector<16xf32> to vector<1x16xf32>
      tpu.vector_store %arg13[%swap3A_33, %swap3A_34], %swap3A_37 {strides = array<i32>} : memref<313x64xf32, #tpu.memory_space<vmem>>, vector<1x16xf32>,
      %swap3A_38 = arith.index_cast %scan3A_22 : i32 to index
      %swap3A_39 = arith.constant 48 : index
      %swap3A_40 = tpu.vector_load %arg13[%swap3A_38, %swap3A_39] {strides = array<i32>} : memref<313x64xf32, #tpu.memory_space<vmem>>, vector<1x16xf32>,
      %swap3A_41 = vector.shape_cast %swap3A_40 : vector<1x16xf32> to vector<16xf32>
      %swap3A_42 = vector.shape_cast %broadcast_in_dim3A_1 : vector<16xf32> to vector<1x16xf32>
      tpu.vector_store %arg13[%swap3A_38, %swap3A_39], %swap3A_42 {strides = array<i32>} : memref<313x64xf32, #tpu.memory_space<vmem>>, vector<1x16xf32>,
      %scan3A_43 = arith.constant 0 : i32
      scf.yield %scan3A_43 : i32
    }
    %scan3A_7 = arith.constant 313 : i32
    %mul3A_8 = arith.constant 626 : i32
    %mul3A_9 = arith.muli %arg1, %mul3A_8 : i32
    %add3A_10 = arith.constant 0 : i32
    %add3A_11 = arith.addi %mul3A_9, %add3A_10 : i32
    "tpu.region"() ({
      %run_scoped3A = tpu.sem_alloc : memref<!tpu.dma_semaphore, #tpu.memory_space<semaphore_mem>>
      %dma_start3A = arith.constant 0 : i32
      %dma_start3A_22 = tpu.memref_slice %arg14[%add3A_11, %dma_start3A] : memref<10016x64xf32, #tpu.memory_space<vmem_shared>> -> memref<313x64xf32, #tpu.memory_space<vmem_shared>>
      %dma_start3A_23 = arith.constant 0 : i32
      %dma_start3A_24 = tpu.memref_slice %arg14[%add3A_11, %dma_start3A_23] : memref<10016x64xf32, #tpu.memory_space<vmem_shared>> -> memref<313x64xf32, #tpu.memory_space<vmem_shared>>
      tpu.enqueue_dma source(%arg13 : memref<313x64xf32, #tpu.memory_space<vmem>>) target(%dma_start3A_24 : memref<313x64xf32, #tpu.memory_space<vmem_shared>>) target_semaphore(%run_scoped3A : memref<!tpu.dma_semaphore, #tpu.memory_space<semaphore_mem>>)
      %dma_wait3A = arith.constant 0 : i32
      %dma_wait3A_25 = tpu.memref_slice %arg14[%add3A_11, %dma_wait3A] : memref<10016x64xf32, #tpu.memory_space<vmem_shared>> -> memref<313x64xf32, #tpu.memory_space<vmem_shared>>
      %dma_wait3A_26 = arith.constant 0 : i32
      %dma_wait3A_27 = tpu.memref_slice %arg14[%add3A_11, %dma_wait3A_26] : memref<10016x64xf32, #tpu.memory_space<vmem_shared>> -> memref<313x64xf32, #tpu.memory_space<vmem_shared>>
      tpu.wait_dma2 semaphore(%run_scoped3A : memref<!tpu.dma_semaphore, #tpu.memory_space<semaphore_mem>>) src(%arg13 : memref<313x64xf32, #tpu.memory_space<vmem>>) dst(%dma_wait3A_27 : memref<313x64xf32, #tpu.memory_space<vmem_shared>>)
      tpu.yield
    }) : () -> ()
    %add3A_12 = arith.constant 313 : i32
    %add3A_13 = arith.addi %mul3A_9, %add3A_12 : i32
    "tpu.region"() ({
      %run_scoped3A = tpu.sem_alloc : memref<!tpu.dma_semaphore, #tpu.memory_space<semaphore_mem>>
      %dma_start3A = arith.constant 0 : i32
      %dma_start3A_22 = tpu.memref_slice %arg14[%add3A_13, %dma_start3A] : memref<10016x64xf32, #tpu.memory_space<vmem_shared>> -> memref<313x64xf32, #tpu.memory_space<vmem_shared>>
      %dma_start3A_23 = arith.constant 0 : i32
      %dma_start3A_24 = tpu.memref_slice %arg14[%add3A_13, %dma_start3A_23] : memref<10016x64xf32, #tpu.memory_space<vmem_shared>> -> memref<313x64xf32, #tpu.memory_space<vmem_shared>>
      tpu.enqueue_dma source(%arg13 : memref<313x64xf32, #tpu.memory_space<vmem>>) target(%dma_start3A_24 : memref<313x64xf32, #tpu.memory_space<vmem_shared>>) target_semaphore(%run_scoped3A : memref<!tpu.dma_semaphore, #tpu.memory_space<semaphore_mem>>)
      %dma_wait3A = arith.constant 0 : i32
      %dma_wait3A_25 = tpu.memref_slice %arg14[%add3A_13, %dma_wait3A] : memref<10016x64xf32, #tpu.memory_space<vmem_shared>> -> memref<313x64xf32, #tpu.memory_space<vmem_shared>>
      %dma_wait3A_26 = arith.constant 0 : i32
      %dma_wait3A_27 = tpu.memref_slice %arg14[%add3A_13, %dma_wait3A_26] : memref<10016x64xf32, #tpu.memory_space<vmem_shared>> -> memref<313x64xf32, #tpu.memory_space<vmem_shared>>
      tpu.wait_dma2 semaphore(%run_scoped3A : memref<!tpu.dma_semaphore, #tpu.memory_space<semaphore_mem>>) src(%arg13 : memref<313x64xf32, #tpu.memory_space<vmem>>) dst(%dma_wait3A_27 : memref<313x64xf32, #tpu.memory_space<vmem_shared>>)
      tpu.yield
    }) : () -> ()
    %barrier3A = arith.constant 0 : index
    tpu.barrier barrier_id(%barrier3A)
    %scan3A_14 = arith.constant 0 : i32
    %scan3A_15 = arith.constant 0 : i32
    %scan3A_16 = arith.constant 79 : i32
    %scan3A_17 = arith.addi %scan3A_15, %scan3A_16 : i32
    %scan3A_18 = arith.constant 1 : i32
    %scan3A_19 = scf.for %scan3A_22 = %scan3A_15 to %scan3A_17 step %scan3A_18 iter_args(%scan3A_23 = %scan3A_14) -> (i32)  : i32 {
      %dma_start3A = arith.constant 0 : i32
      %dma_start3A_24 = tpu.memref_slice %arg8[%scan3A_22, %dma_start3A] : memref<79x128xi32, #tpu.memory_space<vmem>> -> memref<1x128xi32, #tpu.memory_space<vmem>>
      %dma_start3A_25 = tpu.memref_squeeze %dma_start3A_24 : memref<1x128xi32, #tpu.memory_space<vmem>> -> memref<128xi32, #tpu.memory_space<vmem>>
      %dma_start3A_26 = arith.constant 0 : i32
      %dma_start3A_27 = arith.constant 0 : i32
      %dma_start3A_28 = tpu.memref_slice %arg2[%dma_start3A_26, %dma_start3A_27] : memref<30000x64xf32, #tpu.memory_space<hbm>> -> memref<30000x64xf32, #tpu.memory_space<hbm>>
      tpu.enqueue_indirect_dma source(%dma_start3A_28 : memref<30000x64xf32, #tpu.memory_space<hbm>>) target(%arg11 : memref<128x64xf32, #tpu.memory_space<vmem>>) offsets(%dma_start3A_25 : memref<128xi32, #tpu.memory_space<vmem>>) semaphore(%arg15 : memref<!tpu.dma_semaphore, #tpu.memory_space<semaphore_mem>>)
      %dma_start3A_29 = arith.constant 0 : i32
      %dma_start3A_30 = tpu.memref_slice %arg9[%scan3A_22, %dma_start3A_29] : memref<79x128xi32, #tpu.memory_space<vmem>> -> memref<1x128xi32, #tpu.memory_space<vmem>>
      %dma_start3A_31 = tpu.memref_squeeze %dma_start3A_30 : memref<1x128xi32, #tpu.memory_space<vmem>> -> memref<128xi32, #tpu.memory_space<vmem>>
      %dma_start3A_32 = arith.constant 0 : i32
      %dma_start3A_33 = arith.constant 0 : i32
      %dma_start3A_34 = tpu.memref_slice %arg3[%dma_start3A_32, %dma_start3A_33] : memref<30080x64xf32, #tpu.memory_space<hbm>> -> memref<30080x64xf32, #tpu.memory_space<hbm>>
      tpu.enqueue_indirect_dma source(%dma_start3A_34 : memref<30080x64xf32, #tpu.memory_space<hbm>>) target(%arg12 : memref<128x64xf32, #tpu.memory_space<vmem>>) offsets(%dma_start3A_31 : memref<128xi32, #tpu.memory_space<vmem>>) semaphore(%arg16 : memref<!tpu.dma_semaphore, #tpu.memory_space<semaphore_mem>>)
      %dma_wait3A = arith.constant 0 : i32
      %dma_wait3A_35 = tpu.memref_slice %arg8[%scan3A_22, %dma_wait3A] : memref<79x128xi32, #tpu.memory_space<vmem>> -> memref<1x128xi32, #tpu.memory_space<vmem>>
      %dma_wait3A_36 = tpu.memref_squeeze %dma_wait3A_35 : memref<1x128xi32, #tpu.memory_space<vmem>> -> memref<128xi32, #tpu.memory_space<vmem>>
      %dma_wait3A_37 = arith.constant 0 : i32
      %dma_wait3A_38 = arith.constant 0 : i32
      %dma_wait3A_39 = tpu.memref_slice %arg2[%dma_wait3A_37, %dma_wait3A_38] : memref<30000x64xf32, #tpu.memory_space<hbm>> -> memref<30000x64xf32, #tpu.memory_space<hbm>>
      tpu.wait_indirect_dma semaphore(%arg15 : memref<!tpu.dma_semaphore, #tpu.memory_space<semaphore_mem>>) src(%dma_wait3A_39 : memref<30000x64xf32, #tpu.memory_space<hbm>>) dst(%arg11 : memref<128x64xf32, #tpu.memory_space<vmem>>)
      %dma_wait3A_40 = arith.constant 0 : i32
      %dma_wait3A_41 = tpu.memref_slice %arg9[%scan3A_22, %dma_wait3A_40] : memref<79x128xi32, #tpu.memory_space<vmem>> -> memref<1x128xi32, #tpu.memory_space<vmem>>
      %dma_wait3A_42 = tpu.memref_squeeze %dma_wait3A_41 : memref<1x128xi32, #tpu.memory_space<vmem>> -> memref<128xi32, #tpu.memory_space<vmem>>
      %dma_wait3A_43 = arith.constant 0 : i32
      %dma_wait3A_44 = arith.constant 0 : i32
      %dma_wait3A_45 = tpu.memref_slice %arg3[%dma_wait3A_43, %dma_wait3A_44] : memref<30080x64xf32, #tpu.memory_space<hbm>> -> memref<30080x64xf32, #tpu.memory_space<hbm>>
      tpu.wait_indirect_dma semaphore(%arg16 : memref<!tpu.dma_semaphore, #tpu.memory_space<semaphore_mem>>) src(%dma_wait3A_45 : memref<30080x64xf32, #tpu.memory_space<hbm>>) dst(%arg12 : memref<128x64xf32, #tpu.memory_space<vmem>>)
      %scan3A_46 = arith.constant 0 : i32
      %scan3A_47 = arith.constant 0 : i32
      %scan3A_48 = arith.constant 128 : i32
      %scan3A_49 = arith.addi %scan3A_47, %scan3A_48 : i32
      %scan3A_50 = arith.constant 1 : i32
      %scan3A_51 = scf.for %scan3A_54 = %scan3A_47 to %scan3A_49 step %scan3A_50 iter_args(%scan3A_55 = %scan3A_46) -> (i32)  : i32 {
        %get3A = arith.index_cast %scan3A_54 : i32 to index
        %get3A_56 = arith.constant 0 : index
        %get3A_57 = tpu.vector_load %arg11[%get3A, %get3A_56] {strides = array<i32>} : memref<128x64xf32, #tpu.memory_space<vmem>>, vector<1x16xf32>,
        %get3A_58 = vector.shape_cast %get3A_57 : vector<1x16xf32> to vector<16xf32>
        %get3A_59 = arith.index_cast %scan3A_54 : i32 to index
        %get3A_60 = arith.constant 0 : index
        %get3A_61 = tpu.vector_load %arg12[%get3A_59, %get3A_60] {strides = array<i32>} : memref<128x64xf32, #tpu.memory_space<vmem>>, vector<1x16xf32>,
        %get3A_62 = vector.shape_cast %get3A_61 : vector<1x16xf32> to vector<16xf32>
        %mul3A_63 = arith.mulf %get3A_58, %get3A_62 : vector<16xf32>
        %swap3A = arith.index_cast %scan3A_54 : i32 to index
        %swap3A_64 = arith.constant 0 : index
        %swap3A_65 = tpu.vector_load %arg11[%swap3A, %swap3A_64] {strides = array<i32>} : memref<128x64xf32, #tpu.memory_space<vmem>>, vector<1x16xf32>,
        %swap3A_66 = vector.shape_cast %swap3A_65 : vector<1x16xf32> to vector<16xf32>
        %swap3A_67 = vector.shape_cast %mul3A_63 : vector<16xf32> to vector<1x16xf32>
        tpu.vector_store %arg11[%swap3A, %swap3A_64], %swap3A_67 {strides = array<i32>} : memref<128x64xf32, #tpu.memory_space<vmem>>, vector<1x16xf32>,
        %get3A_68 = arith.index_cast %scan3A_54 : i32 to index
        %get3A_69 = arith.constant 16 : index
        %get3A_70 = tpu.vector_load %arg11[%get3A_68, %get3A_69] {strides = array<i32>} : memref<128x64xf32, #tpu.memory_space<vmem>>, vector<1x16xf32>,
        %get3A_71 = vector.shape_cast %get3A_70 : vector<1x16xf32> to vector<16xf32>
        %get3A_72 = arith.index_cast %scan3A_54 : i32 to index
        %get3A_73 = arith.constant 16 : index
        %get3A_74 = tpu.vector_load %arg12[%get3A_72, %get3A_73] {strides = array<i32>} : memref<128x64xf32, #tpu.memory_space<vmem>>, vector<1x16xf32>,
        %get3A_75 = vector.shape_cast %get3A_74 : vector<1x16xf32> to vector<16xf32>
        %mul3A_76 = arith.mulf %get3A_71, %get3A_75 : vector<16xf32>
        %swap3A_77 = arith.index_cast %scan3A_54 : i32 to index
        %swap3A_78 = arith.constant 16 : index
        %swap3A_79 = tpu.vector_load %arg11[%swap3A_77, %swap3A_78] {strides = array<i32>} : memref<128x64xf32, #tpu.memory_space<vmem>>, vector<1x16xf32>,
        %swap3A_80 = vector.shape_cast %swap3A_79 : vector<1x16xf32> to vector<16xf32>
        %swap3A_81 = vector.shape_cast %mul3A_76 : vector<16xf32> to vector<1x16xf32>
        tpu.vector_store %arg11[%swap3A_77, %swap3A_78], %swap3A_81 {strides = array<i32>} : memref<128x64xf32, #tpu.memory_space<vmem>>, vector<1x16xf32>,
        %get3A_82 = arith.index_cast %scan3A_54 : i32 to index
        %get3A_83 = arith.constant 32 : index
        %get3A_84 = tpu.vector_load %arg11[%get3A_82, %get3A_83] {strides = array<i32>} : memref<128x64xf32, #tpu.memory_space<vmem>>, vector<1x16xf32>,
        %get3A_85 = vector.shape_cast %get3A_84 : vector<1x16xf32> to vector<16xf32>
        %get3A_86 = arith.index_cast %scan3A_54 : i32 to index
        %get3A_87 = arith.constant 32 : index
        %get3A_88 = tpu.vector_load %arg12[%get3A_86, %get3A_87] {strides = array<i32>} : memref<128x64xf32, #tpu.memory_space<vmem>>, vector<1x16xf32>,
        %get3A_89 = vector.shape_cast %get3A_88 : vector<1x16xf32> to vector<16xf32>
        %mul3A_90 = arith.mulf %get3A_85, %get3A_89 : vector<16xf32>
        %swap3A_91 = arith.index_cast %scan3A_54 : i32 to index
        %swap3A_92 = arith.constant 32 : index
        %swap3A_93 = tpu.vector_load %arg11[%swap3A_91, %swap3A_92] {strides = array<i32>} : memref<128x64xf32, #tpu.memory_space<vmem>>, vector<1x16xf32>,
        %swap3A_94 = vector.shape_cast %swap3A_93 : vector<1x16xf32> to vector<16xf32>
        %swap3A_95 = vector.shape_cast %mul3A_90 : vector<16xf32> to vector<1x16xf32>
        tpu.vector_store %arg11[%swap3A_91, %swap3A_92], %swap3A_95 {strides = array<i32>} : memref<128x64xf32, #tpu.memory_space<vmem>>, vector<1x16xf32>,
        %get3A_96 = arith.index_cast %scan3A_54 : i32 to index
        %get3A_97 = arith.constant 48 : index
        %get3A_98 = tpu.vector_load %arg11[%get3A_96, %get3A_97] {strides = array<i32>} : memref<128x64xf32, #tpu.memory_space<vmem>>, vector<1x16xf32>,
        %get3A_99 = vector.shape_cast %get3A_98 : vector<1x16xf32> to vector<16xf32>
        %get3A_100 = arith.index_cast %scan3A_54 : i32 to index
        %get3A_101 = arith.constant 48 : index
        %get3A_102 = tpu.vector_load %arg12[%get3A_100, %get3A_101] {strides = array<i32>} : memref<128x64xf32, #tpu.memory_space<vmem>>, vector<1x16xf32>,
        %get3A_103 = vector.shape_cast %get3A_102 : vector<1x16xf32> to vector<16xf32>
        %mul3A_104 = arith.mulf %get3A_99, %get3A_103 : vector<16xf32>
        %swap3A_105 = arith.index_cast %scan3A_54 : i32 to index
        %swap3A_106 = arith.constant 48 : index
        %swap3A_107 = tpu.vector_load %arg11[%swap3A_105, %swap3A_106] {strides = array<i32>} : memref<128x64xf32, #tpu.memory_space<vmem>>, vector<1x16xf32>,
        %swap3A_108 = vector.shape_cast %swap3A_107 : vector<1x16xf32> to vector<16xf32>
        %swap3A_109 = vector.shape_cast %mul3A_104 : vector<16xf32> to vector<1x16xf32>
        tpu.vector_store %arg11[%swap3A_105, %swap3A_106], %swap3A_109 {strides = array<i32>} : memref<128x64xf32, #tpu.memory_space<vmem>>, vector<1x16xf32>,
        %scan3A_110 = arith.constant 0 : i32
        scf.yield %scan3A_110 : i32
      }
      %scan3A_52 = arith.constant 128 : i32
      "tpu.region"() ({
        %run_scoped3A = tpu.sem_alloc : memref<!tpu.dma_semaphore, #tpu.memory_space<semaphore_mem>>
        %dma_start3A_54 = arith.constant 0 : i32
        %dma_start3A_55 = tpu.memref_slice %arg10[%scan3A_22, %dma_start3A_54] : memref<79x128xi32, #tpu.memory_space<vmem>> -> memref<1x128xi32, #tpu.memory_space<vmem>>
        %dma_start3A_56 = tpu.memref_squeeze %dma_start3A_55 : memref<1x128xi32, #tpu.memory_space<vmem>> -> memref<128xi32, #tpu.memory_space<vmem>>
        %dma_start3A_57 = arith.constant 0 : i32
        %dma_start3A_58 = arith.constant 0 : i32
        %dma_start3A_59 = tpu.memref_slice %arg14[%dma_start3A_57, %dma_start3A_58] : memref<10016x64xf32, #tpu.memory_space<vmem_shared>> -> memref<10016x64xf32, #tpu.memory_space<vmem_shared>>
        tpu.enqueue_indirect_dma source(%arg11 : memref<128x64xf32, #tpu.memory_space<vmem>>) target(%dma_start3A_59 : memref<10016x64xf32, #tpu.memory_space<vmem_shared>>) offsets(%dma_start3A_56 : memref<128xi32, #tpu.memory_space<vmem>>) semaphore(%run_scoped3A : memref<!tpu.dma_semaphore, #tpu.memory_space<semaphore_mem>>) {add = true}
        %dma_wait3A_60 = arith.constant 0 : i32
        %dma_wait3A_61 = tpu.memref_slice %arg10[%scan3A_22, %dma_wait3A_60] : memref<79x128xi32, #tpu.memory_space<vmem>> -> memref<1x128xi32, #tpu.memory_space<vmem>>
        %dma_wait3A_62 = tpu.memref_squeeze %dma_wait3A_61 : memref<1x128xi32, #tpu.memory_space<vmem>> -> memref<128xi32, #tpu.memory_space<vmem>>
        %dma_wait3A_63 = arith.constant 0 : i32
        %dma_wait3A_64 = arith.constant 0 : i32
        %dma_wait3A_65 = tpu.memref_slice %arg14[%dma_wait3A_63, %dma_wait3A_64] : memref<10016x64xf32, #tpu.memory_space<vmem_shared>> -> memref<10016x64xf32, #tpu.memory_space<vmem_shared>>
        tpu.wait_indirect_dma semaphore(%run_scoped3A : memref<!tpu.dma_semaphore, #tpu.memory_space<semaphore_mem>>) src(%arg11 : memref<128x64xf32, #tpu.memory_space<vmem>>) dst(%dma_wait3A_65 : memref<10016x64xf32, #tpu.memory_space<vmem_shared>>)
        tpu.yield
      }) : () -> ()
      %scan3A_53 = arith.constant 0 : i32
      scf.yield %scan3A_53 : i32
    }
    %scan3A_20 = arith.constant 79 : i32
    %barrier3A_21 = arith.constant 0 : index
    tpu.barrier barrier_id(%barrier3A_21)
    "tpu.region"() ({
      %run_scoped3A = tpu.sem_alloc : memref<!tpu.dma_semaphore, #tpu.memory_space<semaphore_mem>>
      %dma_start3A = arith.constant 0 : i32
      %dma_start3A_22 = tpu.memref_slice %arg7[%arg0, %mul3A_9, %dma_start3A] : memref<2x10016x64xf32, #tpu.memory_space<hbm>> -> memref<1x626x64xf32, #tpu.memory_space<hbm>>
      %dma_start3A_23 = tpu.memref_squeeze %dma_start3A_22 : memref<1x626x64xf32, #tpu.memory_space<hbm>> -> memref<626x64xf32, #tpu.memory_space<hbm>>
      %dma_start3A_24 = arith.constant 0 : i32
      %dma_start3A_25 = tpu.memref_slice %arg14[%mul3A_9, %dma_start3A_24] : memref<10016x64xf32, #tpu.memory_space<vmem_shared>> -> memref<626x64xf32, #tpu.memory_space<vmem_shared>>
      tpu.enqueue_dma source(%dma_start3A_25 : memref<626x64xf32, #tpu.memory_space<vmem_shared>>) target(%dma_start3A_23 : memref<626x64xf32, #tpu.memory_space<hbm>>) target_semaphore(%run_scoped3A : memref<!tpu.dma_semaphore, #tpu.memory_space<semaphore_mem>>)
      %dma_wait3A = arith.constant 0 : i32
      %dma_wait3A_26 = tpu.memref_slice %arg7[%arg0, %mul3A_9, %dma_wait3A] : memref<2x10016x64xf32, #tpu.memory_space<hbm>> -> memref<1x626x64xf32, #tpu.memory_space<hbm>>
      %dma_wait3A_27 = tpu.memref_squeeze %dma_wait3A_26 : memref<1x626x64xf32, #tpu.memory_space<hbm>> -> memref<626x64xf32, #tpu.memory_space<hbm>>
      %dma_wait3A_28 = arith.constant 0 : i32
      %dma_wait3A_29 = tpu.memref_slice %arg14[%mul3A_9, %dma_wait3A_28] : memref<10016x64xf32, #tpu.memory_space<vmem_shared>> -> memref<626x64xf32, #tpu.memory_space<vmem_shared>>
      tpu.wait_dma2 semaphore(%run_scoped3A : memref<!tpu.dma_semaphore, #tpu.memory_space<semaphore_mem>>) src(%dma_wait3A_29 : memref<626x64xf32, #tpu.memory_space<vmem_shared>>) dst(%dma_wait3A_27 : memref<626x64xf32, #tpu.memory_space<hbm>>)
      tpu.yield
    }) : () -> ()
    return
  }
}

module attributes {stable_mosaic.version = 14 : i64} {
  func.func @_tc_transform_body(%arg0: i32, %arg1: memref<2000x128xf32, #tpu.memory_space<vmem>>, %arg2: memref<3x128x64xf32, #tpu.memory_space<vmem>>, %arg3: memref<128x64xf32, #tpu.memory_space<vmem>>, %arg4: memref<1x64xf32, #tpu.memory_space<vmem>>, %arg5: memref<3x2000x64xf32, #tpu.memory_space<vmem>>, %arg6: memref<2000x64xf32, #tpu.memory_space<vmem>>) attributes {dimension_semantics = [#tpu.dimension_semantics<arbitrary>], iteration_bounds = array<i64: 5>, scalar_prefetch = 0 : i64, scratch_operands = 0 : i64, tpu.core_type = #tpu.core_type<tc>, window_params = [{transform_indices = @transform_0, window_bounds = array<i64: 2000, 128>}, {pipeline_mode = #tpu.pipeline_mode<synchronous>, transform_indices = @transform_1, window_bounds = array<i64: 3, 128, 64>}, {pipeline_mode = #tpu.pipeline_mode<synchronous>, transform_indices = @transform_2, window_bounds = array<i64: 128, 64>}, {pipeline_mode = #tpu.pipeline_mode<synchronous>, transform_indices = @transform_3, window_bounds = array<i64: 1, 64>}, {transform_indices = @transform_4, window_bounds = array<i64: 3, 2000, 64>}, {transform_indices = @transform_5, window_bounds = array<i64: 2000, 64>}]} {
    %get3A = arith.constant 0 : index
    %get3A_0 = arith.constant 0 : index
    %get3A_1 = vector.load %arg1[%get3A, %get3A_0] : memref<2000x128xf32, #tpu.memory_space<vmem>>, vector<2000x128xf32>
    %get3A_2 = arith.constant 0 : index
    %get3A_3 = arith.constant 0 : index
    %get3A_4 = arith.constant 0 : index
    %get3A_5 = vector.load %arg2[%get3A_2, %get3A_3, %get3A_4] : memref<3x128x64xf32, #tpu.memory_space<vmem>>, vector<1x128x64xf32>
    %get3A_6 = vector.shape_cast %get3A_5 : vector<1x128x64xf32> to vector<128x64xf32>
    %dot_general3A = arith.constant dense<0.000000e+00> : vector<2000x64xf32>
    %dot_general3A_7 = tpu.matmul %get3A_1, %get3A_6, %dot_general3A {dimension_numbers = #tpu.dot_dimension_numbers<[1], [0], [0], [1], [0, 0, 1, 1], [], []>, transpose_lhs_hint = false} : vector<2000x128xf32>, vector<128x64xf32>, vector<2000x64xf32> -> vector<2000x64xf32>
    %swap3A = arith.constant 0 : index
    %swap3A_8 = arith.constant 0 : index
    %swap3A_9 = arith.constant 0 : index
    %swap3A_10 = vector.load %arg5[%swap3A, %swap3A_8, %swap3A_9] : memref<3x2000x64xf32, #tpu.memory_space<vmem>>, vector<1x2000x64xf32>
    %swap3A_11 = vector.shape_cast %swap3A_10 : vector<1x2000x64xf32> to vector<2000x64xf32>
    %swap3A_12 = vector.shape_cast %dot_general3A_7 : vector<2000x64xf32> to vector<1x2000x64xf32>
    tpu.vector_store %arg5[%swap3A, %swap3A_8, %swap3A_9], %swap3A_12 {strides = array<i32>} : memref<3x2000x64xf32, #tpu.memory_space<vmem>>, vector<1x2000x64xf32>,
    %get3A_13 = arith.constant 1 : index
    %get3A_14 = arith.constant 0 : index
    %get3A_15 = arith.constant 0 : index
    %get3A_16 = vector.load %arg2[%get3A_13, %get3A_14, %get3A_15] : memref<3x128x64xf32, #tpu.memory_space<vmem>>, vector<1x128x64xf32>
    %get3A_17 = vector.shape_cast %get3A_16 : vector<1x128x64xf32> to vector<128x64xf32>
    %dot_general3A_18 = arith.constant dense<0.000000e+00> : vector<2000x64xf32>
    %dot_general3A_19 = tpu.matmul %get3A_1, %get3A_17, %dot_general3A_18 {dimension_numbers = #tpu.dot_dimension_numbers<[1], [0], [0], [1], [0, 0, 1, 1], [], []>, transpose_lhs_hint = false} : vector<2000x128xf32>, vector<128x64xf32>, vector<2000x64xf32> -> vector<2000x64xf32>
    %swap3A_20 = arith.constant 1 : index
    %swap3A_21 = arith.constant 0 : index
    %swap3A_22 = arith.constant 0 : index
    %swap3A_23 = vector.load %arg5[%swap3A_20, %swap3A_21, %swap3A_22] : memref<3x2000x64xf32, #tpu.memory_space<vmem>>, vector<1x2000x64xf32>
    %swap3A_24 = vector.shape_cast %swap3A_23 : vector<1x2000x64xf32> to vector<2000x64xf32>
    %swap3A_25 = vector.shape_cast %dot_general3A_19 : vector<2000x64xf32> to vector<1x2000x64xf32>
    tpu.vector_store %arg5[%swap3A_20, %swap3A_21, %swap3A_22], %swap3A_25 {strides = array<i32>} : memref<3x2000x64xf32, #tpu.memory_space<vmem>>, vector<1x2000x64xf32>,
    %get3A_26 = arith.constant 2 : index
    %get3A_27 = arith.constant 0 : index
    %get3A_28 = arith.constant 0 : index
    %get3A_29 = vector.load %arg2[%get3A_26, %get3A_27, %get3A_28] : memref<3x128x64xf32, #tpu.memory_space<vmem>>, vector<1x128x64xf32>
    %get3A_30 = vector.shape_cast %get3A_29 : vector<1x128x64xf32> to vector<128x64xf32>
    %dot_general3A_31 = arith.constant dense<0.000000e+00> : vector<2000x64xf32>
    %dot_general3A_32 = tpu.matmul %get3A_1, %get3A_30, %dot_general3A_31 {dimension_numbers = #tpu.dot_dimension_numbers<[1], [0], [0], [1], [0, 0, 1, 1], [], []>, transpose_lhs_hint = false} : vector<2000x128xf32>, vector<128x64xf32>, vector<2000x64xf32> -> vector<2000x64xf32>
    %swap3A_33 = arith.constant 2 : index
    %swap3A_34 = arith.constant 0 : index
    %swap3A_35 = arith.constant 0 : index
    %swap3A_36 = vector.load %arg5[%swap3A_33, %swap3A_34, %swap3A_35] : memref<3x2000x64xf32, #tpu.memory_space<vmem>>, vector<1x2000x64xf32>
    %swap3A_37 = vector.shape_cast %swap3A_36 : vector<1x2000x64xf32> to vector<2000x64xf32>
    %swap3A_38 = vector.shape_cast %dot_general3A_32 : vector<2000x64xf32> to vector<1x2000x64xf32>
    tpu.vector_store %arg5[%swap3A_33, %swap3A_34, %swap3A_35], %swap3A_38 {strides = array<i32>} : memref<3x2000x64xf32, #tpu.memory_space<vmem>>, vector<1x2000x64xf32>,
    %get3A_39 = arith.constant 0 : index
    %get3A_40 = arith.constant 0 : index
    %get3A_41 = vector.load %arg3[%get3A_39, %get3A_40] : memref<128x64xf32, #tpu.memory_space<vmem>>, vector<128x64xf32>
    %dot_general3A_42 = arith.constant dense<0.000000e+00> : vector<2000x64xf32>
    %dot_general3A_43 = tpu.matmul %get3A_1, %get3A_41, %dot_general3A_42 {dimension_numbers = #tpu.dot_dimension_numbers<[1], [0], [0], [1], [0, 0, 1, 1], [], []>, transpose_lhs_hint = false} : vector<2000x128xf32>, vector<128x64xf32>, vector<2000x64xf32> -> vector<2000x64xf32>
    %get3A_44 = arith.constant 0 : index
    %get3A_45 = arith.constant 0 : index
    %get3A_46 = vector.load %arg4[%get3A_44, %get3A_45] : memref<1x64xf32, #tpu.memory_space<vmem>>, vector<1x64xf32>
    %add3A = vector.broadcast %get3A_46 : vector<1x64xf32> to vector<2000x64xf32>
    %add3A_47 = arith.addf %dot_general3A_43, %add3A : vector<2000x64xf32>
    %swap3A_48 = arith.constant 0 : index
    %swap3A_49 = arith.constant 0 : index
    %swap3A_50 = vector.load %arg6[%swap3A_48, %swap3A_49] : memref<2000x64xf32, #tpu.memory_space<vmem>>, vector<2000x64xf32>
    tpu.vector_store %arg6[%swap3A_48, %swap3A_49], %add3A_47 {strides = array<i32>} : memref<2000x64xf32, #tpu.memory_space<vmem>>, vector<2000x64xf32>,
    return
  }
  func.func @transform_0(%arg0: i32) -> (i32, i32) {
    %c0_i32 = arith.constant 0 : i32
    %c0_i32_0 = arith.constant 0 : i32
    return %arg0, %c0_i32 : i32, i32
  }
  func.func @transform_1(%arg0: i32) -> (i32, i32, i32) {
    %c0_i32 = arith.constant 0 : i32
    %c0_i32_0 = arith.constant 0 : i32
    %c0_i32_1 = arith.constant 0 : i32
    %c0_i32_2 = arith.constant 0 : i32
    return %c0_i32, %c0_i32_0, %c0_i32_1 : i32, i32, i32
  }
  func.func @transform_2(%arg0: i32) -> (i32, i32) {
    %c0_i32 = arith.constant 0 : i32
    %c0_i32_0 = arith.constant 0 : i32
    %c0_i32_1 = arith.constant 0 : i32
    return %c0_i32, %c0_i32_0 : i32, i32
  }
  func.func @transform_3(%arg0: i32) -> (i32, i32) {
    %c0_i32 = arith.constant 0 : i32
    %c0_i32_0 = arith.constant 0 : i32
    %c0_i32_1 = arith.constant 0 : i32
    return %c0_i32, %c0_i32_0 : i32, i32
  }
  func.func @transform_4(%arg0: i32) -> (i32, i32, i32) {
    %c0_i32 = arith.constant 0 : i32
    %c0_i32_0 = arith.constant 0 : i32
    %c0_i32_1 = arith.constant 0 : i32
    return %c0_i32, %arg0, %c0_i32_0 : i32, i32, i32
  }
  func.func @transform_5(%arg0: i32) -> (i32, i32) {
    %c0_i32 = arith.constant 0 : i32
    %c0_i32_0 = arith.constant 0 : i32
    return %arg0, %c0_i32 : i32, i32
  }
}

module attributes {stable_mosaic.version = 14 : i64} {
  func.func @_tc_recip_body(%arg0: i32, %arg1: memref<2x1880x16xf32, #tpu.memory_space<vmem>>, %arg2: memref<1880x64xf32, #tpu.memory_space<vmem>>) attributes {dimension_semantics = [#tpu.dimension_semantics<arbitrary>], iteration_bounds = array<i64: 16>, scalar_prefetch = 0 : i64, scratch_operands = 0 : i64, tpu.core_type = #tpu.core_type<tc>, window_params = [{transform_indices = @transform_0, window_bounds = array<i64: 2, 1880, 16>}, {transform_indices = @transform_1, window_bounds = array<i64: 1880, 64>}]} {
    %get3A = arith.constant 0 : index
    %get3A_0 = arith.constant 0 : index
    %get3A_1 = arith.constant 0 : index
    %get3A_2 = vector.load %arg1[%get3A, %get3A_0, %get3A_1] : memref<2x1880x16xf32, #tpu.memory_space<vmem>>, vector<1x1880x1xf32>
    %get3A_3 = vector.shape_cast %get3A_2 : vector<1x1880x1xf32> to vector<1880x1xf32>
    %get3A_4 = arith.constant 1 : index
    %get3A_5 = arith.constant 0 : index
    %get3A_6 = arith.constant 0 : index
    %get3A_7 = vector.load %arg1[%get3A_4, %get3A_5, %get3A_6] : memref<2x1880x16xf32, #tpu.memory_space<vmem>>, vector<1x1880x1xf32>
    %get3A_8 = vector.shape_cast %get3A_7 : vector<1x1880x1xf32> to vector<1880x1xf32>
    %add3A = arith.addf %get3A_3, %get3A_8 : vector<1880x1xf32>
    %max3A = arith.constant 1.000000e+00 : f32
    %max3A_9 = vector.broadcast %max3A : f32 to vector<1880x1xf32>
    %max3A_10 = arith.maximumf %add3A, %max3A_9 : vector<1880x1xf32>
    %div3A = arith.constant 1.000000e+00 : f32
    %div3A_11 = vector.broadcast %div3A : f32 to vector<1880x1xf32>
    %div3A_12 = arith.divf %div3A_11, %max3A_10 : vector<1880x1xf32>
    %broadcast_in_dim3A = vector.shape_cast %div3A_12 : vector<1880x1xf32> to vector<1880x1xf32>
    %broadcast_in_dim3A_13 = vector.broadcast %broadcast_in_dim3A : vector<1880x1xf32> to vector<1880x64xf32>
    %swap3A = arith.constant 0 : index
    %swap3A_14 = arith.constant 0 : index
    %swap3A_15 = vector.load %arg2[%swap3A, %swap3A_14] : memref<1880x64xf32, #tpu.memory_space<vmem>>, vector<1880x64xf32>
    tpu.vector_store %arg2[%swap3A, %swap3A_14], %broadcast_in_dim3A_13 {strides = array<i32>} : memref<1880x64xf32, #tpu.memory_space<vmem>>, vector<1880x64xf32>,
    return
  }
  func.func @transform_0(%arg0: i32) -> (i32, i32, i32) {
    %c0_i32 = arith.constant 0 : i32
    %c0_i32_0 = arith.constant 0 : i32
    %c0_i32_1 = arith.constant 0 : i32
    return %c0_i32, %arg0, %c0_i32_0 : i32, i32, i32
  }
  func.func @transform_1(%arg0: i32) -> (i32, i32) {
    %c0_i32 = arith.constant 0 : i32
    %c0_i32_0 = arith.constant 0 : i32
    return %arg0, %c0_i32 : i32, i32
  }
}

module attributes {stable_mosaic.version = 14 : i64} {
  func.func @_tc_combine_transform_body(%arg0: i32, %arg1: memref<2x2000x64xf32, #tpu.memory_space<vmem>>, %arg2: memref<2000x64xf32, #tpu.memory_space<vmem>>, %arg3: memref<3x64x64xf32, #tpu.memory_space<vmem>>, %arg4: memref<64x64xf32, #tpu.memory_space<vmem>>, %arg5: memref<1x64xf32, #tpu.memory_space<vmem>>, %arg6: memref<3x2000x64xf32, #tpu.memory_space<vmem>>, %arg7: memref<2000x64xf32, #tpu.memory_space<vmem>>) attributes {dimension_semantics = [#tpu.dimension_semantics<arbitrary>], iteration_bounds = array<i64: 5>, scalar_prefetch = 0 : i64, scratch_operands = 0 : i64, tpu.core_type = #tpu.core_type<tc>, window_params = [{transform_indices = @transform_0, window_bounds = array<i64: 2, 2000, 64>}, {transform_indices = @transform_1, window_bounds = array<i64: 2000, 64>}, {pipeline_mode = #tpu.pipeline_mode<synchronous>, transform_indices = @transform_2, window_bounds = array<i64: 3, 64, 64>}, {pipeline_mode = #tpu.pipeline_mode<synchronous>, transform_indices = @transform_3, window_bounds = array<i64: 64, 64>}, {pipeline_mode = #tpu.pipeline_mode<synchronous>, transform_indices = @transform_4, window_bounds = array<i64: 1, 64>}, {transform_indices = @transform_5, window_bounds = array<i64: 3, 2000, 64>}, {transform_indices = @transform_6, window_bounds = array<i64: 2000, 64>}]} {
    %get3A = arith.constant 0 : index
    %get3A_0 = arith.constant 0 : index
    %get3A_1 = vector.load %arg2[%get3A, %get3A_0] : memref<2000x64xf32, #tpu.memory_space<vmem>>, vector<2000x64xf32>
    %get3A_2 = arith.constant 0 : index
    %get3A_3 = arith.constant 0 : index
    %get3A_4 = arith.constant 0 : index
    %get3A_5 = vector.load %arg1[%get3A_2, %get3A_3, %get3A_4] : memref<2x2000x64xf32, #tpu.memory_space<vmem>>, vector<1x2000x64xf32>
    %get3A_6 = vector.shape_cast %get3A_5 : vector<1x2000x64xf32> to vector<2000x64xf32>
    %add3A = arith.addf %get3A_1, %get3A_6 : vector<2000x64xf32>
    %get3A_7 = arith.constant 1 : index
    %get3A_8 = arith.constant 0 : index
    %get3A_9 = arith.constant 0 : index
    %get3A_10 = vector.load %arg1[%get3A_7, %get3A_8, %get3A_9] : memref<2x2000x64xf32, #tpu.memory_space<vmem>>, vector<1x2000x64xf32>
    %get3A_11 = vector.shape_cast %get3A_10 : vector<1x2000x64xf32> to vector<2000x64xf32>
    %add3A_12 = arith.addf %add3A, %get3A_11 : vector<2000x64xf32>
    %max3A = arith.constant 0.000000e+00 : f32
    %max3A_13 = vector.broadcast %max3A : f32 to vector<2000x64xf32>
    %max3A_14 = arith.maximumf %add3A_12, %max3A_13 : vector<2000x64xf32>
    %get3A_15 = arith.constant 0 : index
    %get3A_16 = arith.constant 0 : index
    %get3A_17 = arith.constant 0 : index
    %get3A_18 = vector.load %arg3[%get3A_15, %get3A_16, %get3A_17] : memref<3x64x64xf32, #tpu.memory_space<vmem>>, vector<1x64x64xf32>
    %get3A_19 = vector.shape_cast %get3A_18 : vector<1x64x64xf32> to vector<64x64xf32>
    %dot_general3A = arith.constant dense<0.000000e+00> : vector<2000x64xf32>
    %dot_general3A_20 = tpu.matmul %max3A_14, %get3A_19, %dot_general3A {dimension_numbers = #tpu.dot_dimension_numbers<[1], [0], [0], [1], [0, 0, 1, 1], [], []>, transpose_lhs_hint = false} : vector<2000x64xf32>, vector<64x64xf32>, vector<2000x64xf32> -> vector<2000x64xf32>
    %swap3A = arith.constant 0 : index
    %swap3A_21 = arith.constant 0 : index
    %swap3A_22 = arith.constant 0 : index
    %swap3A_23 = vector.load %arg6[%swap3A, %swap3A_21, %swap3A_22] : memref<3x2000x64xf32, #tpu.memory_space<vmem>>, vector<1x2000x64xf32>
    %swap3A_24 = vector.shape_cast %swap3A_23 : vector<1x2000x64xf32> to vector<2000x64xf32>
    %swap3A_25 = vector.shape_cast %dot_general3A_20 : vector<2000x64xf32> to vector<1x2000x64xf32>
    tpu.vector_store %arg6[%swap3A, %swap3A_21, %swap3A_22], %swap3A_25 {strides = array<i32>} : memref<3x2000x64xf32, #tpu.memory_space<vmem>>, vector<1x2000x64xf32>,
    %get3A_26 = arith.constant 1 : index
    %get3A_27 = arith.constant 0 : index
    %get3A_28 = arith.constant 0 : index
    %get3A_29 = vector.load %arg3[%get3A_26, %get3A_27, %get3A_28] : memref<3x64x64xf32, #tpu.memory_space<vmem>>, vector<1x64x64xf32>
    %get3A_30 = vector.shape_cast %get3A_29 : vector<1x64x64xf32> to vector<64x64xf32>
    %dot_general3A_31 = arith.constant dense<0.000000e+00> : vector<2000x64xf32>
    %dot_general3A_32 = tpu.matmul %max3A_14, %get3A_30, %dot_general3A_31 {dimension_numbers = #tpu.dot_dimension_numbers<[1], [0], [0], [1], [0, 0, 1, 1], [], []>, transpose_lhs_hint = false} : vector<2000x64xf32>, vector<64x64xf32>, vector<2000x64xf32> -> vector<2000x64xf32>
    %swap3A_33 = arith.constant 1 : index
    %swap3A_34 = arith.constant 0 : index
    %swap3A_35 = arith.constant 0 : index
    %swap3A_36 = vector.load %arg6[%swap3A_33, %swap3A_34, %swap3A_35] : memref<3x2000x64xf32, #tpu.memory_space<vmem>>, vector<1x2000x64xf32>
    %swap3A_37 = vector.shape_cast %swap3A_36 : vector<1x2000x64xf32> to vector<2000x64xf32>
    %swap3A_38 = vector.shape_cast %dot_general3A_32 : vector<2000x64xf32> to vector<1x2000x64xf32>
    tpu.vector_store %arg6[%swap3A_33, %swap3A_34, %swap3A_35], %swap3A_38 {strides = array<i32>} : memref<3x2000x64xf32, #tpu.memory_space<vmem>>, vector<1x2000x64xf32>,
    %get3A_39 = arith.constant 2 : index
    %get3A_40 = arith.constant 0 : index
    %get3A_41 = arith.constant 0 : index
    %get3A_42 = vector.load %arg3[%get3A_39, %get3A_40, %get3A_41] : memref<3x64x64xf32, #tpu.memory_space<vmem>>, vector<1x64x64xf32>
    %get3A_43 = vector.shape_cast %get3A_42 : vector<1x64x64xf32> to vector<64x64xf32>
    %dot_general3A_44 = arith.constant dense<0.000000e+00> : vector<2000x64xf32>
    %dot_general3A_45 = tpu.matmul %max3A_14, %get3A_43, %dot_general3A_44 {dimension_numbers = #tpu.dot_dimension_numbers<[1], [0], [0], [1], [0, 0, 1, 1], [], []>, transpose_lhs_hint = false} : vector<2000x64xf32>, vector<64x64xf32>, vector<2000x64xf32> -> vector<2000x64xf32>
    %swap3A_46 = arith.constant 2 : index
    %swap3A_47 = arith.constant 0 : index
    %swap3A_48 = arith.constant 0 : index
    %swap3A_49 = vector.load %arg6[%swap3A_46, %swap3A_47, %swap3A_48] : memref<3x2000x64xf32, #tpu.memory_space<vmem>>, vector<1x2000x64xf32>
    %swap3A_50 = vector.shape_cast %swap3A_49 : vector<1x2000x64xf32> to vector<2000x64xf32>
    %swap3A_51 = vector.shape_cast %dot_general3A_45 : vector<2000x64xf32> to vector<1x2000x64xf32>
    tpu.vector_store %arg6[%swap3A_46, %swap3A_47, %swap3A_48], %swap3A_51 {strides = array<i32>} : memref<3x2000x64xf32, #tpu.memory_space<vmem>>, vector<1x2000x64xf32>,
    %get3A_52 = arith.constant 0 : index
    %get3A_53 = arith.constant 0 : index
    %get3A_54 = vector.load %arg4[%get3A_52, %get3A_53] : memref<64x64xf32, #tpu.memory_space<vmem>>, vector<64x64xf32>
    %dot_general3A_55 = arith.constant dense<0.000000e+00> : vector<2000x64xf32>
    %dot_general3A_56 = tpu.matmul %max3A_14, %get3A_54, %dot_general3A_55 {dimension_numbers = #tpu.dot_dimension_numbers<[1], [0], [0], [1], [0, 0, 1, 1], [], []>, transpose_lhs_hint = false} : vector<2000x64xf32>, vector<64x64xf32>, vector<2000x64xf32> -> vector<2000x64xf32>
    %get3A_57 = arith.constant 0 : index
    %get3A_58 = arith.constant 0 : index
    %get3A_59 = vector.load %arg5[%get3A_57, %get3A_58] : memref<1x64xf32, #tpu.memory_space<vmem>>, vector<1x64xf32>
    %add3A_60 = vector.broadcast %get3A_59 : vector<1x64xf32> to vector<2000x64xf32>
    %add3A_61 = arith.addf %dot_general3A_56, %add3A_60 : vector<2000x64xf32>
    %swap3A_62 = arith.constant 0 : index
    %swap3A_63 = arith.constant 0 : index
    %swap3A_64 = vector.load %arg7[%swap3A_62, %swap3A_63] : memref<2000x64xf32, #tpu.memory_space<vmem>>, vector<2000x64xf32>
    tpu.vector_store %arg7[%swap3A_62, %swap3A_63], %add3A_61 {strides = array<i32>} : memref<2000x64xf32, #tpu.memory_space<vmem>>, vector<2000x64xf32>,
    return
  }
  func.func @transform_0(%arg0: i32) -> (i32, i32, i32) {
    %c0_i32 = arith.constant 0 : i32
    %c0_i32_0 = arith.constant 0 : i32
    %c0_i32_1 = arith.constant 0 : i32
    return %c0_i32, %arg0, %c0_i32_0 : i32, i32, i32
  }
  func.func @transform_1(%arg0: i32) -> (i32, i32) {
    %c0_i32 = arith.constant 0 : i32
    %c0_i32_0 = arith.constant 0 : i32
    return %arg0, %c0_i32 : i32, i32
  }
  func.func @transform_2(%arg0: i32) -> (i32, i32, i32) {
    %c0_i32 = arith.constant 0 : i32
    %c0_i32_0 = arith.constant 0 : i32
    %c0_i32_1 = arith.constant 0 : i32
    %c0_i32_2 = arith.constant 0 : i32
    return %c0_i32, %c0_i32_0, %c0_i32_1 : i32, i32, i32
  }
  func.func @transform_3(%arg0: i32) -> (i32, i32) {
    %c0_i32 = arith.constant 0 : i32
    %c0_i32_0 = arith.constant 0 : i32
    %c0_i32_1 = arith.constant 0 : i32
    return %c0_i32, %c0_i32_0 : i32, i32
  }
  func.func @transform_4(%arg0: i32) -> (i32, i32) {
    %c0_i32 = arith.constant 0 : i32
    %c0_i32_0 = arith.constant 0 : i32
    %c0_i32_1 = arith.constant 0 : i32
    return %c0_i32, %c0_i32_0 : i32, i32
  }
  func.func @transform_5(%arg0: i32) -> (i32, i32, i32) {
    %c0_i32 = arith.constant 0 : i32
    %c0_i32_0 = arith.constant 0 : i32
    %c0_i32_1 = arith.constant 0 : i32
    return %c0_i32, %arg0, %c0_i32_0 : i32, i32, i32
  }
  func.func @transform_6(%arg0: i32) -> (i32, i32) {
    %c0_i32 = arith.constant 0 : i32
    %c0_i32_0 = arith.constant 0 : i32
    return %arg0, %c0_i32 : i32, i32
  }
}

module attributes {stable_mosaic.version = 14 : i64} {
  func.func @_tc_final_body(%arg0: i32, %arg1: memref<2x2000x64xf32, #tpu.memory_space<vmem>>, %arg2: memref<2000x64xf32, #tpu.memory_space<vmem>>, %arg3: memref<64x5xf32, #tpu.memory_space<vmem>>, %arg4: memref<1x5xf32, #tpu.memory_space<vmem>>, %arg5: memref<2000x5xf32, #tpu.memory_space<vmem>>) attributes {dimension_semantics = [#tpu.dimension_semantics<arbitrary>], iteration_bounds = array<i64: 5>, scalar_prefetch = 0 : i64, scratch_operands = 0 : i64, tpu.core_type = #tpu.core_type<tc>, window_params = [{transform_indices = @transform_0, window_bounds = array<i64: 2, 2000, 64>}, {transform_indices = @transform_1, window_bounds = array<i64: 2000, 64>}, {pipeline_mode = #tpu.pipeline_mode<synchronous>, transform_indices = @transform_2, window_bounds = array<i64: 64, 5>}, {pipeline_mode = #tpu.pipeline_mode<synchronous>, transform_indices = @transform_3, window_bounds = array<i64: 1, 5>}, {transform_indices = @transform_4, window_bounds = array<i64: 2000, 5>}]} {
    %get3A = arith.constant 0 : index
    %get3A_0 = arith.constant 0 : index
    %get3A_1 = vector.load %arg2[%get3A, %get3A_0] : memref<2000x64xf32, #tpu.memory_space<vmem>>, vector<2000x64xf32>
    %get3A_2 = arith.constant 0 : index
    %get3A_3 = arith.constant 0 : index
    %get3A_4 = arith.constant 0 : index
    %get3A_5 = vector.load %arg1[%get3A_2, %get3A_3, %get3A_4] : memref<2x2000x64xf32, #tpu.memory_space<vmem>>, vector<1x2000x64xf32>
    %get3A_6 = vector.shape_cast %get3A_5 : vector<1x2000x64xf32> to vector<2000x64xf32>
    %add3A = arith.addf %get3A_1, %get3A_6 : vector<2000x64xf32>
    %get3A_7 = arith.constant 1 : index
    %get3A_8 = arith.constant 0 : index
    %get3A_9 = arith.constant 0 : index
    %get3A_10 = vector.load %arg1[%get3A_7, %get3A_8, %get3A_9] : memref<2x2000x64xf32, #tpu.memory_space<vmem>>, vector<1x2000x64xf32>
    %get3A_11 = vector.shape_cast %get3A_10 : vector<1x2000x64xf32> to vector<2000x64xf32>
    %add3A_12 = arith.addf %add3A, %get3A_11 : vector<2000x64xf32>
    %max3A = arith.constant 0.000000e+00 : f32
    %max3A_13 = vector.broadcast %max3A : f32 to vector<2000x64xf32>
    %max3A_14 = arith.maximumf %add3A_12, %max3A_13 : vector<2000x64xf32>
    %get3A_15 = arith.constant 0 : index
    %get3A_16 = arith.constant 0 : index
    %get3A_17 = vector.load %arg3[%get3A_15, %get3A_16] : memref<64x5xf32, #tpu.memory_space<vmem>>, vector<64x5xf32>
    %dot_general3A = arith.constant dense<0.000000e+00> : vector<2000x5xf32>
    %dot_general3A_18 = tpu.matmul %max3A_14, %get3A_17, %dot_general3A {dimension_numbers = #tpu.dot_dimension_numbers<[1], [0], [0], [1], [0, 0, 1, 1], [], []>, transpose_lhs_hint = false} : vector<2000x64xf32>, vector<64x5xf32>, vector<2000x5xf32> -> vector<2000x5xf32>
    %get3A_19 = arith.constant 0 : index
    %get3A_20 = arith.constant 0 : index
    %get3A_21 = vector.load %arg4[%get3A_19, %get3A_20] : memref<1x5xf32, #tpu.memory_space<vmem>>, vector<1x5xf32>
    %add3A_22 = vector.broadcast %get3A_21 : vector<1x5xf32> to vector<2000x5xf32>
    %add3A_23 = arith.addf %dot_general3A_18, %add3A_22 : vector<2000x5xf32>
    %swap3A = arith.constant 0 : index
    %swap3A_24 = arith.constant 0 : index
    %swap3A_25 = vector.load %arg5[%swap3A, %swap3A_24] : memref<2000x5xf32, #tpu.memory_space<vmem>>, vector<2000x5xf32>
    tpu.vector_store %arg5[%swap3A, %swap3A_24], %add3A_23 {strides = array<i32>} : memref<2000x5xf32, #tpu.memory_space<vmem>>, vector<2000x5xf32>,
    return
  }
  func.func @transform_0(%arg0: i32) -> (i32, i32, i32) {
    %c0_i32 = arith.constant 0 : i32
    %c0_i32_0 = arith.constant 0 : i32
    %c0_i32_1 = arith.constant 0 : i32
    return %c0_i32, %arg0, %c0_i32_0 : i32, i32, i32
  }
  func.func @transform_1(%arg0: i32) -> (i32, i32) {
    %c0_i32 = arith.constant 0 : i32
    %c0_i32_0 = arith.constant 0 : i32
    return %arg0, %c0_i32 : i32, i32
  }
  func.func @transform_2(%arg0: i32) -> (i32, i32) {
    %c0_i32 = arith.constant 0 : i32
    %c0_i32_0 = arith.constant 0 : i32
    %c0_i32_1 = arith.constant 0 : i32
    return %c0_i32, %c0_i32_0 : i32, i32
  }
  func.func @transform_3(%arg0: i32) -> (i32, i32) {
    %c0_i32 = arith.constant 0 : i32
    %c0_i32_0 = arith.constant 0 : i32
    %c0_i32_1 = arith.constant 0 : i32
    return %c0_i32, %c0_i32_0 : i32, i32
  }
  func.func @transform_4(%arg0: i32) -> (i32, i32) {
    %c0_i32 = arith.constant 0 : i32
    %c0_i32_0 = arith.constant 0 : i32
    return %arg0, %c0_i32 : i32, i32
  }
}

</mosaic_0001>

<sc_bundles>
// kernel: rgcn_sc_feature.4.cloned.1.call-start
scs
__scs_entry_jumppad:
0x0: {  	(pc) =	sbr.rel $0x88, $3  }
0x1: {  	(tag) =	ssettag $0x0;
	lr =	simm.s32 $0x1  }
0x2: {  	[smem:$0x3F96] =	sst lr;
	_ =	strace $0xD0000000  }
0x3: {  	_ = 	snop  }
0x4: {  	_ = 	snop  }
0x5: {  	_ = 	snop  }
0x6: {  	_ = 	snop  }
0x7: {  	_ = 	snop  }
__scs_overlays_trampoline_lowered:
0x8: {  	[smem:$0x3FA5] =	sst s0  }
0x9: {  	[smem:$0x3FA6] =	sst s1  }
0xa: {  	[smem:$0x3FA7] =	sst s2  }
0xb: {  	[smem:$0x3FA8] =	sst s3  }
0xc: {  	[smem:$0x3FA9] =	sst s4  }
0xd: {  	[smem:$0x3FAA] =	sst s5  }
0xe: {  	[smem:$0x3FAB] =	sst s6  }
0xf: {  	[smem:$0x3FAC] =	sst s7  }
0x10: {  	[smem:$0x3FAD] =	sst s8  }
0x11: {  	[smem:$0x3FAE] =	sst s9;
	s0 =	simm.s32 @!p0 $0x0  }
0x12: {  	s1 =	sld [smem:$0x3F94];
	s0 =	simm.s32 @p0 $0x1  }
0x13: {  	[smem:$0x3FAF] =	sst s0;
	s0 =	simm.s32 @!p1 $0x0  }
0x14: {  	s2 =	sld [smem:$0x3F93];
	s0 =	simm.s32 @p1 $0x1  }
0x15: {  	[smem:$0x3FB0] =	sst s0;
	s0 =	simm.s32 @!p2 $0x0  }
0x16: {  	s3 =	sld [smem:$0x3FDB];
	s0 =	simm.s32 @p2 $0x1  }
0x17: {  	s4 =	simm.s32 $0x1BF5;
	[smem:$0x3FB2] =	sst s0  }
0x18: {  	s0 =	sld [smem:$0x3F95];
	_ =	swait.ge [sflag:s4], $0x0  }
0x19: {  	s7 =	sld [smem:$0x3F96]  }
0x1a: {  	s8 =	sadd.s32 $0xFFFFE003, lr  }
0x1b: {  	s9 =	sadd.s32 $0xFFFFFEF7, lr;
	s5 =	simm.s32 $0xFFFFFFFF;
	p2 =	slt.u32 s8, $0xFFFFF086  }
0x1c: {  	p1 =	slt.u32 s9, $0xF7A;
	s5 =	simm.s32 @!p2 $0x0  }
0x1d: {  	s5 =	simm.s32 @p1 $0x1;
	p0 =	seq.s32 s7, s2  }
0x1e: {  	s7 =	smul.u32 @!p0 $0xF7A, s2;
	p2 =	seq.s32 @!p0 s5, $0x0  }
0x1f: {  	s9 =	smul.u32 $0xF7A, s1;
	s8 =	simm.s32 @!p0 $0x1BF5;
	p2 =	por !p2, p0  }
0x20: {  	[sflag:s8] =	ssyncset.s32 @!p0 $0xFFFFF086;
	s6 =	sadd.s32 @!p0 s3, s7;
	s7 =	simm.s32 @!p0 $0x108  }
0x21: {  	s3 =	sadd.s32 s3, s9;
	s6 =	sadd.s32 @!p0 $0x88, s6;
	s7 =	simm.s32 @p2 $0x1082  }
0x22: {  	[simem:s7], [sflag:s8] =	dma.local @!p0 [hbm:s6], $0xF7A  }
0x23: {  	s9 =	sor.u32 $0xD0000000, s2;
	s6 =	simm.s32 $0x108;
	_ =	swait.ge @!p0 [sflag:s8], $0x0  }
0x24: {  	s3 =	sadd.s32 $0x88, s3;
	s6 =	simm.s32 @!p1 $0x1082;
	[sflag:s4] =	ssyncset.s32 $0xFFFFF086  }
0x25: {  	[simem:s6], [sflag:s4] =	dma.local [hbm:s3], $0xF7A  }
0x26: {  	[smem:$0x3F96] =	sst s1;
	(tag) =	ssettag s2;
	_ =	strace s9  }
0x27: {  	s1 =	sld [smem:$0x3FA6]  }
0x28: {  	s2 =	sld [smem:$0x3FA7]  }
0x29: {  	s4 =	sld [smem:$0x3FA9]  }
0x2a: {  	p0 =	seq.s32 s5, $0x0;
	s5 =	sld [smem:$0x3FAA]  }
0x2b: {  	s6 =	sld [smem:$0x3FAB]  }
0x2c: {  	s7 =	sld [smem:$0x3FAC]  }
0x2d: {  	s3 =	simm.s32 $0x108;
	s8 =	sld [smem:$0x3FAD]  }
0x2e: {  	s3 =	simm.s32 @!p0 $0x1082;
	s9 =	sld [smem:$0x3FAE]  }
0x2f: {  	lr =	sadd.s32 s0, s3;
	s0 =	sld [smem:$0x3FA5]  }
0x30: {  	s3 =	sld [smem:$0x3FA8]  }
0x31: {  	[smem:$0x3FB1] =	sst s10  }
0x32: {  	s10 =	sld [smem:$0x3FAF];
	_ =	sdelay $0x3  }
0x33: {  	p0 =	seq.s32 s10, $0x1;
	s10 =	sld [smem:$0x3FB1];
	_ =	sdelay $0x3  }
0x34: {  	[smem:$0x3FB1] =	sst s10  }
0x35: {  	s10 =	sld [smem:$0x3FB0];
	_ =	sdelay $0x3  }
0x36: {  	p1 =	seq.s32 s10, $0x1;
	s10 =	sld [smem:$0x3FB1];
	_ =	sdelay $0x3  }
0x37: {  	[smem:$0x3FB1] =	sst s10  }
0x38: {  	s10 =	sld [smem:$0x3FB2]  }
0x39: {  	_ = 	snop;
	(pc) =	sbr.ind lr, $3  }
0x3a: {  	_ = 	snop  }
0x3b: {  	_ = 	snop  }
0x3c: {  	p2 =	seq.s32 s10, $0x1;
	s10 =	sld [smem:$0x3FB1]  }
0x3d: {  	_ =	shalt  }
0x3e: {  	_ =	shalt  }
0x3f: {  	_ =	shalt  }
0x40: {  	_ =	shalt  }
0x41: {  	_ =	shalt  }
0x42: {  	_ =	shalt  }
0x43: {  	_ =	shalt  }
0x44: {  	_ =	shalt  }
0x45: {  	_ =	shalt  }
0x46: {  	_ =	shalt  }
0x47: {  	_ =	shalt  }
0x48: {  	_ =	shalt  }
0x49: {  	_ =	shalt  }
0x4a: {  	_ =	shalt  }
0x4b: {  	_ =	shalt  }
0x4c: {  	_ =	shalt  }
0x4d: {  	_ =	shalt  }
0x4e: {  	_ =	shalt  }
0x4f: {  	_ =	shalt  }
0x50: {  	_ =	shalt  }
0x51: {  	_ =	shalt  }
0x52: {  	_ =	shalt  }
0x53: {  	_ =	shalt  }
0x54: {  	_ =	shalt  }
0x55: {  	_ =	shalt  }
0x56: {  	_ =	shalt  }
0x57: {  	_ =	shalt  }
0x58: {  	_ =	shalt  }
0x59: {  	_ =	shalt  }
0x5a: {  	_ =	shalt  }
0x5b: {  	_ =	shalt  }
0x5c: {  	_ =	shalt  }
0x5d: {  	_ =	shalt  }
0x5e: {  	_ =	shalt  }
0x5f: {  	_ =	shalt  }
0x60: {  	_ =	shalt  }
0x61: {  	_ =	shalt  }
0x62: {  	_ =	shalt  }
0x63: {  	_ =	shalt  }
0x64: {  	_ =	shalt  }
0x65: {  	_ =	shalt  }
0x66: {  	_ =	shalt  }
0x67: {  	_ =	shalt  }
0x68: {  	_ =	shalt  }
0x69: {  	_ =	shalt  }
0x6a: {  	_ =	shalt  }
0x6b: {  	_ =	shalt  }
0x6c: {  	_ =	shalt  }
0x6d: {  	_ =	shalt  }
0x6e: {  	_ =	shalt  }
0x6f: {  	_ =	shalt  }
0x70: {  	_ =	shalt  }
0x71: {  	_ =	shalt  }
0x72: {  	_ =	shalt  }
0x73: {  	_ =	shalt  }
0x74: {  	_ =	shalt  }
0x75: {  	_ =	shalt  }
0x76: {  	_ =	shalt  }
0x77: {  	_ =	shalt  }
0x78: {  	_ =	shalt  }
0x79: {  	_ =	shalt  }
0x7a: {  	_ =	shalt  }
0x7b: {  	_ =	shalt  }
0x7c: {  	_ =	shalt  }
0x7d: {  	_ =	shalt  }
0x7e: {  	_ =	shalt  }
0x7f: {  	_ =	shalt  }
0x80: {  	_ =	shalt  }
0x81: {  	_ =	shalt  }
0x82: {  	_ =	shalt  }
0x83: {  	_ =	shalt  }
0x84: {  	_ =	shalt  }
0x85: {  	_ =	shalt  }
0x86: {  	_ =	shalt  }
0x87: {  	_ =	shalt  }
.Lfunc_end0:
.L_simem_size_0:
called_computation.1_lowered:
.L_overlay_start_0:
0x88: {  	s2 =	sld [smem:$0x3FD9]  }
0x89: {  	s3 =	sld [smem:$0x3FFE];
	_ =	sdelay $0x1  }
0x8a: {  	s1 =	srdreg.scid  }
0x8b: {  	s0 =	sand.u32 $0x1, s1  }
0x8c: {  	s16 =	sshll.u32 s0, $0xA;
	s2 =	sadd.s32 s3, s2  }
0x8d: {  	s2 =	sadd.s32 s2, s16  }
0x8e: {  	[smem:$0x3FBD] =	sst s2  }
0x8f: {  	_ = 	snop  }
0x90: {  	(tm) =	ssettm $0x1  }
0x91: {  	s17 =	sld [smem:$0x3FFB];
	_ =	sdelay $0x3  }
0x92: {  	_ =	strace s17  }
0x93: {  	s2 =	sld [smem:$0x3FFC];
	_ =	sdelay $0x3  }
0x94: {  	_ =	strace s2  }
0x95: {  	s2 =	sld [smem:$0x3FFD];
	_ =	sdelay $0x3  }
0x96: {  	_ =	strace s2  }
0x97: {  	_ =	strace $0x8FFFFFFF  }
0x98: {  	s18 =	sld [smem:$0x3FDB];
	_ =	sdelay $0x1  }
0x99: {  	s19 =	simm.s32 $_scs_section_size  }
0x9a: {  	s4 =	simm.s32 $_size__tile_overlayer_lowered;
	s5 =	simm.s32 $_tile_overlayer_lowered  }
0x9b: {  	s22 =	simm.s32 $0x1BFF;
	s21 =	sshll.u32 s5, $0x1;
	s2 =	sadd.s32 s19, s18  }
0x9c: {  	s6 =	simm.s32 $0x0;
	s20 =	sshll.u32 s4, $0x1;
	s4 =	sadd.s32 s21, s2  }
0x9d: {  	[timem:s6], [sflag:s22] =	dma.local [hbm:s4], s20  }
0x9e: {  	_ =	swait.ge [sflag:s22], s20  }
0x9f: {  	s3 =	ssub.s32 $0x0, s20;
	[sflag:s22] =	ssyncset.done $0x0  }
0xa0: {  	[sflag:s22] =	ssyncadd.s32 s3;
	_ =	sdelay $0x1  }
0xa1: {  	s23 =	simm.s32 $0x1B8B  }
0xa2: {  	_ =	swait.ge [sflag:s23], $0x1  }
0xa3: {  	[sflag:s23] =	ssyncset.done $0x0  }
0xa4: {  	s25 =	simm.s32 $0x1B8E;
	s24 =	sld [smem:$0x3FFE];
	[sflag:s23] =	ssyncadd.s32 $0xFFFFFFFF  }
0xa5: {  	s26 =	simm.s32 $execute0_lowered;
	[smem:$0x3FD2] =	sst s25  }
0xa6: {  	s4 =	sshll.u32 s26, $0x1;
	_ =	strace $0x80000049;
	[dreg:$0x1] =	wrdreg $0xFFFFFFFF  }
0xa7: {  	s28 =	simm.s32 $_size_execute0_lowered;
	s2 =	sadd.s32 s2, s4;
	[dreg:$0x0] =	wrdreg $0x0  }
0xa8: {  	s4 =	sshll.u32 s28, $0x1;
	[dreg:$0x2] =	wrdreg s2  }
0xa9: {  	[dreg:$0x3] =	wrdreg s4  }
0xaa: {  	[dreg:$0x4] =	wrdreg $0xC0  }
0xab: {  	_ =	task [dreg:s6], $0x5FFFF  }
0xac: {  	[dreg:$0x1] =	wrdreg $0xFFFFFFFF  }
0xad: {  	[dreg:$0x0] =	wrdreg $0x60  }
0xae: {  	[dreg:$0x2] =	wrdreg s24  }
0xaf: {  	[dreg:$0x3] =	wrdreg $0x104C00  }
0xb0: {  	[dreg:$0x4] =	wrdreg $0x9  }
0xb1: {  	_ =	task.clear_ibuf [dreg:s6], $0x5FFFF;
	_ =	strace $0x90000049  }
0xb2: {  	s29 =	simm.s32 $0x9;
	_ =	strace $0x8000004B  }
0xb3: {  	_ =	swait.ge [sflag:s29], $0x1  }
0xb4: {  	[sflag:s29] =	ssyncadd.s32 $0xFFFFFFFF  }
0xb5: {  	_ =	strace $0x9000004B  }
0xb6: {  	_ =	sfence  }
0xb7: {  	s30 =	sld [smem:$0x0];
	_ =	sdelay $0x2  }
0xb8: {  	s31 =	sshll.u32 s1, $0xD;
	s1 =	sshrl.u32 s1, $0x2  }
0xb9: {  	s3 =	sand.u32 $0x4000, s31;
	s1 =	sadd.s32 s1, s30  }
0xba: {  	s0 =	sor.u32 s3, s0;
	s1 =	sshll.u32 s1, $0x11  }
0xbb: {  	s0 =	sor.u32 s1, s0  }
0xbc: {  	s0 =	sadd.s32 $0x8F2B, s0  }
0xbd: {  	[sflag:s0] =	ssyncadd.remote.s32 $0x1  }
0xbe: {  	_ =	sfence.sel $0xFFFF  }
0xbf: {  	[dreg:$0x0] =	wrdreg $0xFFFFFFFF;
	(pc) =	sbr.abs _section_cstart, $3  }
0xc0: {  	[dreg:$0x1] =	wrdreg $0xFFFFFFFF  }
0xc1: {  	_ =	task.clear_ibuf [dreg:s6], $0x2FFFF;
	_ =	strace $0x9FFFFFFF  }
0xc2: {  	(tm) =	ssettm $0x7FFFFFFF  }
0xc3: {  	_ =	shalt  }
tec
execute0_lowered:
.L_overlay_start_1:
0x0: {  	(tag) =	ssettag $0x1  }
0x1: {  	s6 =	rddreg [dreg:$0x0]  }
0x2: {  	s2 =	rddreg [dreg:$0x1]  }
0x3: {  	s0 =	rddreg [dreg:$0x2]  }
0x4: {  	s3 =	simm.s32 $0x0;
	s4 =	srdreg.scid;
	s1 =	stileid.u32  }
0x5: {  	s15 =	simm.s32 $0x4F00;
	s16 =	simm.s32 $0xB680;
	s17 =	simm.s32 $0x80  }
0x6: {  	s18 =	simm.s32 $0x7680;
	s19 =	simm.s32 $0x9680;
	s20 =	simm.s32 $0x1  }
0x7: {  	s21 =	simm.s32 $0x2;
	s23 =	simm.s32 $0x0;
	[smem:$0x7FF] =	sst s3  }
0x8: {  	s7 =	sand.u32 $0x1, s4;
	s9 =	smul.u32 $0x9C80, s1;
	s4 =	sadd.s32 $0xC6400, s6  }
0x9: {  	s5 =	sadd.s32 $0x51000, s6;
	s12 =	smul.u32 $0x27200, s1;
	s22 =	sshll.u32 s1, $0x6  }
0xa: {  	_ =	strace $0x8000004A;
	s8 =	sshll.u32 s7, $0x4;
	s10 =	smul.u32 $0x9C800, s7  }
0xb: {  	s7 =	ssub.s32 $0x2, s7;
	s22 =	sor.u32 $0x1C03, s22;
	s8 =	sor.u32 s1, s8  }
0xc: {  	s11 =	sshrl.u32 s7, $0x1;
	s31 =	sshrl.u32 s12, $0x2;
	s8 =	smul.u32 $0x4F0, s8  }
0xd: {  	s10 =	sadd.s32 s9, s10;
	s14 =	ssub.s32 s7, s11;
	s9 =	sadd.s32 s9, s2  }
0xe: {  	s10 =	sshrl.u32 s10, $0x3;
	s12 =	smax.u32 s14, $0x1;
	s14 =	simm.s32 $0x2780  }
0xf: {  	s8 =	sadd.s32 s8, s6;
	s13 =	sadd.s32 s10, s6;
	s10 =	sadd.s32 s31, s2  }
0x10: {  	s6 =	sadd.s32 $0x33600, s8;
	s7 =	sadd.s32 $0x3D400, s8;
	s8 =	sadd.s32 $0x47200, s8  }
0x11: {  	v0 =	vimm.f32 $0.0e+00;
	s10 =	sadd.s32 $0x4E40, s10;
	s11 =	sadd.s32 $0x2400, s13;
	s13 =	simm.s32 $0x3  }
.LBB2_1:
0x12: {  	[tilespmem:s3], [sflag:$0x3] =	stream.linear.gather [hbm4b:s6+s3], $0x2780, $0x38;
	[tilespmem:$0x1A140] =	vst v63  }
0x13: {  	_ =	swait.ge [sflag:s13], $0x2780  }
0x14: {  	[sflag:s13] =	ssyncset.done $0x0  }
0x15: {  	[sflag:s13] =	ssyncadd.s32 $0xFFFFD880  }
0x16: {  	[tilespmem:s14], [sflag:$0x3] =	stream.linear.gather [hbm4b:s7+s3], $0x2780, $0x38;
	[tilespmem:$0x1A140] =	vst v63  }
0x17: {  	_ =	swait.ge [sflag:s13], $0x2780  }
0x18: {  	[sflag:s13] =	ssyncset.done $0x0  }
0x19: {  	[sflag:s13] =	ssyncadd.s32 $0xFFFFD880  }
0x1a: {  	[tilespmem:s15], [sflag:$0x3] =	stream.linear.gather [hbm4b:s8+s3], $0x2780, $0x38;
	[tilespmem:$0x1A140] =	vst v63  }
0x1b: {  	_ =	swait.ge [sflag:s13], $0x2780  }
0x1c: {  	[sflag:s13] =	ssyncset.done $0x0  }
0x1d: {  	s25 =	simm.s32 $0x100;
	s24 =	simm.s32 $0x0;
	[sflag:s13] =	ssyncadd.s32 $0xFFFFD880  }
.LBB2_2:
0x1e: {  	p0 =	sne.s32 s25, $0x13800;
	[tilespmem:s24+$0xB6B0] =	vst v0;
	s26 =	smov.u32 s25;
	s25 =	sadd.s32 $0x100, s25  }
.Ltmp0:
0x1f: {  	[tilespmem:s24+$0xB6A0] =	vst v0;
	(pc) =	sbr.rel @p0 .LBB2_2-.Ltmp0, $3  }
0x20: {  	[tilespmem:s24+$0xB680] =	vst v0  }
0x21: {  	[tilespmem:s24+$0xB690] =	vst v0;
	_ =	sdelay $0x1  }
0x22: {  	s24 =	sshra.s32 s26, $0x2  }
0x23: {  	[tilespmem:s24+$0xB6B0] =	vst v0  }
0x24: {  	[tilespmem:s24+$0xB6A0] =	vst v0  }
0x25: {  	[tilespmem:s24+$0xB680] =	vst v0  }
0x26: {  	[tilespmem:s24+$0xB690] =	vst v0  }
0x27: {  	[spmem:s9] =	stream.linear.scatter [tilespmem:s16], [sflag:$0x3], $0x4E40, $0x38;
	[tilespmem:$0x1A140] =	vst v63  }
0x28: {  	_ =	swait.ge [sflag:s13], $0x4E40  }
0x29: {  	[sflag:s13] =	ssyncset.done $0x0  }
0x2a: {  	[sflag:s13] =	ssyncadd.s32 $0xFFFFB1C0  }
0x2b: {  	[spmem:s10] =	stream.linear.scatter [tilespmem:s16], [sflag:$0x3], $0x4E40, $0x38;
	[tilespmem:$0x1A140] =	vst v63  }
0x2c: {  	_ =	swait.ge [sflag:s13], $0x4E40  }
0x2d: {  	[sflag:s13] =	ssyncset.done $0x0  }
0x2e: {  	[sflag:s13] =	ssyncadd.s32 $0xFFFFB1C0  }
0x2f: {  	s24 =	simm.s32 $0x0;
	[bflag:$0x0] =	sbarrier.arrive $0xFFFF  }
.LBB2_4:
0x30: {  	s25 =	sshll.u32 s24, $0x7  }
0x31: {  	[tilespmem:s18], [sflag:$0x1] =	stream.indirect.gather [hbm4b:s4+s17], $0x40, s25, s17, $0xb8;
	[tilespmem:$0x1A140] =	vst v63  }
0x32: {  	s26 =	sadd.s32 $0x2780, s25  }
0x33: {  	[tilespmem:s19], [sflag:$0x2] =	stream.indirect.gather [hbm4b:s5+s17], $0x40, s26, s17, $0xb8;
	[tilespmem:$0x1A140] =	vst v63  }
0x34: {  	_ =	swait.ge [sflag:s20], $0x2000  }
0x35: {  	[sflag:s20] =	ssyncset.done $0x0  }
0x36: {  	[sflag:s20] =	ssyncadd.s32 $0xFFFFE000  }
0x37: {  	_ =	swait.ge [sflag:s21], $0x2000  }
0x38: {  	[sflag:s21] =	ssyncset.done $0x0  }
0x39: {  	s26 =	simm.s32 $0x0;
	[sflag:s21] =	ssyncadd.s32 $0xFFFFE000  }
0x3a: {  	v6 =	vld [tilespmem:s26+$0x9680]  }
0x3b: {  	v7 =	vld [tilespmem:s26+$0x9690]  }
0x3c: {  	v2 =	vld [tilespmem:s26+$0x96A0]  }
0x3d: {  	v1 =	vld [tilespmem:s26+$0x96B0]  }
0x3e: {  	v3 =	vld [tilespmem:s26+$0x7680]  }
0x3f: {  	v5 =	vld [tilespmem:s26+$0x7690]  }
0x40: {  	s28 =	simm.s32 $0x100;
	v4 =	vld [tilespmem:s26+$0x76A0]  }
.LBB2_5:
0x41: {  	s29 =	sshra.s32 s28, $0x2;
	p0 =	sne.s32 s28, $0x7F00;
	v8 =	vld [tilespmem:s26+$0x76B0];
	v9 =	vmov v2  }
0x42: {  	v10 =	vld [tilespmem:s29+$0x9680];
	v11 =	vmov v1  }
0x43: {  	v12 =	vld [tilespmem:s29+$0x9690];
	v3 =	vmul.f32 v6, v3  }
.Ltmp1:
0x44: {  	v2 =	vld [tilespmem:s29+$0x96A0];
	v5 =	vmul.f32 v7, v5;
	(pc) =	sbr.rel @p0 .LBB2_5-.Ltmp1, $4  }
0x45: {  	v1 =	vld [tilespmem:s29+$0x96B0];
	[tilespmem:s26+$0x7680] =	vst v3;
	v4 =	vmul.f32 v9, v4  }
0x46: {  	v3 =	vld [tilespmem:s29+$0x7680];
	[tilespmem:s26+$0x7690] =	vst v5;
	v8 =	vmul.f32 v11, v8  }
0x47: {  	v5 =	vld [tilespmem:s29+$0x7690];
	[tilespmem:s26+$0x76A0] =	vst v4;
	v6 =	vmov v10  }
0x48: {  	s28 =	sadd.s32 $0x100, s28;
	v4 =	vld [tilespmem:s29+$0x76A0];
	[tilespmem:s26+$0x76B0] =	vst v8;
	v7 =	vmov v12;
	s26 =	smov.u32 s29  }
0x49: {  	v8 =	vld [tilespmem:s26+$0x76B0];
	_ =	sdelay $0x1  }
0x4a: {  	v3 =	vmul.f32 v6, v3  }
0x4b: {  	v5 =	vmul.f32 v7, v5  }
0x4c: {  	[tilespmem:s26+$0x7680] =	vst v3;
	v2 =	vmul.f32 v2, v4  }
0x4d: {  	s24 =	sadd.s32 $0x1, s24;
	[tilespmem:s26+$0x7690] =	vst v5;
	v1 =	vmul.f32 v1, v8  }
0x4e: {  	p0 =	sne.s32 s24, $0x4F;
	[tilespmem:s26+$0x76A0] =	vst v2  }
.Ltmp2:
0x4f: {  	s25 =	sadd.s32 $0x4F00, s25;
	[tilespmem:s26+$0x76B0] =	vst v1;
	(pc) =	sbr.rel @p0 .LBB2_4-.Ltmp2, $4  }
0x50: {  	[spmem:s2] =	stream.indirect.scatter.add.f32 [tilespmem:s18], [sflag:$0x3], $0x40, s25, s17, $0xb8;
	[tilespmem:$0x1A140] =	vst v63  }
0x51: {  	_ =	swait.ge [sflag:s13], $0x2000  }
0x52: {  	[sflag:s13] =	ssyncset.done $0x0  }
0x53: {  	[sflag:s13] =	ssyncadd.s32 $0xFFFFE000  }
0x54: {  	s23 =	sadd.s32 $0x1, s23  }
0x55: {  	p0 =	sne.s32 s23, s12  }
.Ltmp3:
0x56: {  	[bflag:$0x0] =	sbarrier.arrive $0xFFFF;
	s24 =	sshrl.u32 s9, $0x3;
	(pc) =	sbr.rel @p0 .LBB2_1-.Ltmp3, $4  }
0x57: {  	[hbm:s11], [sflag:s22] =	dma.local [spmem:s24], $0x1390  }
0x58: {  	_ =	swait.ge [sflag:s13], $0x1390  }
0x59: {  	[sflag:s13] =	ssyncset.done $0x0  }
0x5a: {  	[sflag:s13] =	ssyncadd.s32 $0xFFFFEC70  }
0x5b: {  	_ =	sfence.sel $0x180000  }
0x5c: {  	[bflag:$0x0] =	sbarrier.arrive $0xFFFF  }
0x5d: {  	p0 =	sne.s32 s1, $0x0;
	_ =	strace $0x9000004A  }
0x5e: {  	s0 =	sadd.s32 @!p0 $0x100000, s0;
	[bflag:$0x2] =	sbarrier.arrive $0xFFFF  }
0x5f: {  	[sflag:s0] =	ssyncadd.tile.s32 @!p0 $0x1;
	_ =	shalt  }
.Lfunc_end2:
_tile_overlayer_lowered:
.L_overlay_start_2:
0x60: {  	(tag) =	ssettag $0x2  }
0x61: {  	s0 =	rddreg [dreg:$0x0];
	s2 =	stileid.u32  }
0x62: {  	s1 =	rddreg [dreg:$0x1];
	p0 =	sne.s32 s2, $0x0  }
0x63: {  	s3 =	rddreg [dreg:$0x2];
	[bflag:$0x3] =	sbarrier.arrive $0xFFFF;
	s2 =	simm.s32 @!p0 $0x1C03  }
0x64: {  	[timem:s3], [sflag:s2] =	dma.local @!p0 [hbm:s0], s1  }
0x65: {  	s0 =	simm.s32 @!p0 $0x3  }
0x66: {  	_ =	swait.ge @!p0 [sflag:s0], s1  }
0x67: {  	s1 =	ssub.s32 @!p0 $0x0, s1;
	[sflag:s0] =	ssyncset.done @!p0 $0x0  }
0x68: {  	[sflag:s0] =	ssyncadd.s32 @!p0 s1  }
0x69: {  	[bflag:$0x3] =	sbarrier.arrive $0xFFFF  }
0x6a: {  	_ =	shalt  }

// kernel: rgcn_sc_feature.7.cloned.1.call-start
scs
__scs_entry_jumppad:
0x0: {  	(pc) =	sbr.rel $0x88, $3  }
0x1: {  	(tag) =	ssettag $0x0;
	lr =	simm.s32 $0x1  }
0x2: {  	[smem:$0x3F96] =	sst lr;
	_ =	strace $0xD0000000  }
0x3: {  	_ = 	snop  }
0x4: {  	_ = 	snop  }
0x5: {  	_ = 	snop  }
0x6: {  	_ = 	snop  }
0x7: {  	_ = 	snop  }
__scs_overlays_trampoline_lowered:
0x8: {  	[smem:$0x3FA5] =	sst s0  }
0x9: {  	[smem:$0x3FA6] =	sst s1  }
0xa: {  	[smem:$0x3FA7] =	sst s2  }
0xb: {  	[smem:$0x3FA8] =	sst s3  }
0xc: {  	[smem:$0x3FA9] =	sst s4  }
0xd: {  	[smem:$0x3FAA] =	sst s5  }
0xe: {  	[smem:$0x3FAB] =	sst s6  }
0xf: {  	[smem:$0x3FAC] =	sst s7  }
0x10: {  	[smem:$0x3FAD] =	sst s8  }
0x11: {  	[smem:$0x3FAE] =	sst s9;
	s0 =	simm.s32 @!p0 $0x0  }
0x12: {  	s1 =	sld [smem:$0x3F94];
	s0 =	simm.s32 @p0 $0x1  }
0x13: {  	[smem:$0x3FAF] =	sst s0;
	s0 =	simm.s32 @!p1 $0x0  }
0x14: {  	s2 =	sld [smem:$0x3F93];
	s0 =	simm.s32 @p1 $0x1  }
0x15: {  	[smem:$0x3FB0] =	sst s0;
	s0 =	simm.s32 @!p2 $0x0  }
0x16: {  	s3 =	sld [smem:$0x3FDB];
	s0 =	simm.s32 @p2 $0x1  }
0x17: {  	s4 =	simm.s32 $0x1BF5;
	[smem:$0x3FB2] =	sst s0  }
0x18: {  	s0 =	sld [smem:$0x3F95];
	_ =	swait.ge [sflag:s4], $0x0  }
0x19: {  	s7 =	sld [smem:$0x3F96]  }
0x1a: {  	s8 =	sadd.s32 $0xFFFFE003, lr  }
0x1b: {  	s9 =	sadd.s32 $0xFFFFFEF7, lr;
	s5 =	simm.s32 $0xFFFFFFFF;
	p2 =	slt.u32 s8, $0xFFFFF086  }
0x1c: {  	p1 =	slt.u32 s9, $0xF7A;
	s5 =	simm.s32 @!p2 $0x0  }
0x1d: {  	s5 =	simm.s32 @p1 $0x1;
	p0 =	seq.s32 s7, s2  }
0x1e: {  	s7 =	smul.u32 @!p0 $0xF7A, s2;
	p2 =	seq.s32 @!p0 s5, $0x0  }
0x1f: {  	s9 =	smul.u32 $0xF7A, s1;
	s8 =	simm.s32 @!p0 $0x1BF5;
	p2 =	por !p2, p0  }
0x20: {  	[sflag:s8] =	ssyncset.s32 @!p0 $0xFFFFF086;
	s6 =	sadd.s32 @!p0 s3, s7;
	s7 =	simm.s32 @!p0 $0x108  }
0x21: {  	s3 =	sadd.s32 s3, s9;
	s6 =	sadd.s32 @!p0 $0x88, s6;
	s7 =	simm.s32 @p2 $0x1082  }
0x22: {  	[simem:s7], [sflag:s8] =	dma.local @!p0 [hbm:s6], $0xF7A  }
0x23: {  	s9 =	sor.u32 $0xD0000000, s2;
	s6 =	simm.s32 $0x108;
	_ =	swait.ge @!p0 [sflag:s8], $0x0  }
0x24: {  	s3 =	sadd.s32 $0x88, s3;
	s6 =	simm.s32 @!p1 $0x1082;
	[sflag:s4] =	ssyncset.s32 $0xFFFFF086  }
0x25: {  	[simem:s6], [sflag:s4] =	dma.local [hbm:s3], $0xF7A  }
0x26: {  	[smem:$0x3F96] =	sst s1;
	(tag) =	ssettag s2;
	_ =	strace s9  }
0x27: {  	s1 =	sld [smem:$0x3FA6]  }
0x28: {  	s2 =	sld [smem:$0x3FA7]  }
0x29: {  	s4 =	sld [smem:$0x3FA9]  }
0x2a: {  	p0 =	seq.s32 s5, $0x0;
	s5 =	sld [smem:$0x3FAA]  }
0x2b: {  	s6 =	sld [smem:$0x3FAB]  }
0x2c: {  	s7 =	sld [smem:$0x3FAC]  }
0x2d: {  	s3 =	simm.s32 $0x108;
	s8 =	sld [smem:$0x3FAD]  }
0x2e: {  	s3 =	simm.s32 @!p0 $0x1082;
	s9 =	sld [smem:$0x3FAE]  }
0x2f: {  	lr =	sadd.s32 s0, s3;
	s0 =	sld [smem:$0x3FA5]  }
0x30: {  	s3 =	sld [smem:$0x3FA8]  }
0x31: {  	[smem:$0x3FB1] =	sst s10  }
0x32: {  	s10 =	sld [smem:$0x3FAF];
	_ =	sdelay $0x3  }
0x33: {  	p0 =	seq.s32 s10, $0x1;
	s10 =	sld [smem:$0x3FB1];
	_ =	sdelay $0x3  }
0x34: {  	[smem:$0x3FB1] =	sst s10  }
0x35: {  	s10 =	sld [smem:$0x3FB0];
	_ =	sdelay $0x3  }
0x36: {  	p1 =	seq.s32 s10, $0x1;
	s10 =	sld [smem:$0x3FB1];
	_ =	sdelay $0x3  }
0x37: {  	[smem:$0x3FB1] =	sst s10  }
0x38: {  	s10 =	sld [smem:$0x3FB2]  }
0x39: {  	_ = 	snop;
	(pc) =	sbr.ind lr, $3  }
0x3a: {  	_ = 	snop  }
0x3b: {  	_ = 	snop  }
0x3c: {  	p2 =	seq.s32 s10, $0x1;
	s10 =	sld [smem:$0x3FB1]  }
0x3d: {  	_ =	shalt  }
0x3e: {  	_ =	shalt  }
0x3f: {  	_ =	shalt  }
0x40: {  	_ =	shalt  }
0x41: {  	_ =	shalt  }
0x42: {  	_ =	shalt  }
0x43: {  	_ =	shalt  }
0x44: {  	_ =	shalt  }
0x45: {  	_ =	shalt  }
0x46: {  	_ =	shalt  }
0x47: {  	_ =	shalt  }
0x48: {  	_ =	shalt  }
0x49: {  	_ =	shalt  }
0x4a: {  	_ =	shalt  }
0x4b: {  	_ =	shalt  }
0x4c: {  	_ =	shalt  }
0x4d: {  	_ =	shalt  }
0x4e: {  	_ =	shalt  }
0x4f: {  	_ =	shalt  }
0x50: {  	_ =	shalt  }
0x51: {  	_ =	shalt  }
0x52: {  	_ =	shalt  }
0x53: {  	_ =	shalt  }
0x54: {  	_ =	shalt  }
0x55: {  	_ =	shalt  }
0x56: {  	_ =	shalt  }
0x57: {  	_ =	shalt  }
0x58: {  	_ =	shalt  }
0x59: {  	_ =	shalt  }
0x5a: {  	_ =	shalt  }
0x5b: {  	_ =	shalt  }
0x5c: {  	_ =	shalt  }
0x5d: {  	_ =	shalt  }
0x5e: {  	_ =	shalt  }
0x5f: {  	_ =	shalt  }
0x60: {  	_ =	shalt  }
0x61: {  	_ =	shalt  }
0x62: {  	_ =	shalt  }
0x63: {  	_ =	shalt  }
0x64: {  	_ =	shalt  }
0x65: {  	_ =	shalt  }
0x66: {  	_ =	shalt  }
0x67: {  	_ =	shalt  }
0x68: {  	_ =	shalt  }
0x69: {  	_ =	shalt  }
0x6a: {  	_ =	shalt  }
0x6b: {  	_ =	shalt  }
0x6c: {  	_ =	shalt  }
0x6d: {  	_ =	shalt  }
0x6e: {  	_ =	shalt  }
0x6f: {  	_ =	shalt  }
0x70: {  	_ =	shalt  }
0x71: {  	_ =	shalt  }
0x72: {  	_ =	shalt  }
0x73: {  	_ =	shalt  }
0x74: {  	_ =	shalt  }
0x75: {  	_ =	shalt  }
0x76: {  	_ =	shalt  }
0x77: {  	_ =	shalt  }
0x78: {  	_ =	shalt  }
0x79: {  	_ =	shalt  }
0x7a: {  	_ =	shalt  }
0x7b: {  	_ =	shalt  }
0x7c: {  	_ =	shalt  }
0x7d: {  	_ =	shalt  }
0x7e: {  	_ =	shalt  }
0x7f: {  	_ =	shalt  }
0x80: {  	_ =	shalt  }
0x81: {  	_ =	shalt  }
0x82: {  	_ =	shalt  }
0x83: {  	_ =	shalt  }
0x84: {  	_ =	shalt  }
0x85: {  	_ =	shalt  }
0x86: {  	_ =	shalt  }
0x87: {  	_ =	shalt  }
.Lfunc_end0:
.L_simem_size_0:
called_computation.2_lowered:
.L_overlay_start_0:
0x88: {  	s2 =	sld [smem:$0x3FD9]  }
0x89: {  	s3 =	sld [smem:$0x3FFE];
	_ =	sdelay $0x1  }
0x8a: {  	s1 =	srdreg.scid  }
0x8b: {  	s0 =	sand.u32 $0x1, s1  }
0x8c: {  	s16 =	sshll.u32 s0, $0xA;
	s2 =	sadd.s32 s3, s2  }
0x8d: {  	s2 =	sadd.s32 s2, s16  }
0x8e: {  	[smem:$0x3FBD] =	sst s2  }
0x8f: {  	_ = 	snop  }
0x90: {  	(tm) =	ssettm $0x1  }
0x91: {  	s17 =	sld [smem:$0x3FFB];
	_ =	sdelay $0x3  }
0x92: {  	_ =	strace s17  }
0x93: {  	s2 =	sld [smem:$0x3FFC];
	_ =	sdelay $0x3  }
0x94: {  	_ =	strace s2  }
0x95: {  	s2 =	sld [smem:$0x3FFD];
	_ =	sdelay $0x3  }
0x96: {  	_ =	strace s2  }
0x97: {  	_ =	strace $0x8FFFFFFF  }
0x98: {  	s18 =	sld [smem:$0x3FDB];
	_ =	sdelay $0x1  }
0x99: {  	s19 =	simm.s32 $_scs_section_size  }
0x9a: {  	s4 =	simm.s32 $_size__tile_overlayer_lowered;
	s5 =	simm.s32 $_tile_overlayer_lowered  }
0x9b: {  	s22 =	simm.s32 $0x1BFF;
	s21 =	sshll.u32 s5, $0x1;
	s2 =	sadd.s32 s19, s18  }
0x9c: {  	s6 =	simm.s32 $0x0;
	s20 =	sshll.u32 s4, $0x1;
	s4 =	sadd.s32 s21, s2  }
0x9d: {  	[timem:s6], [sflag:s22] =	dma.local [hbm:s4], s20  }
0x9e: {  	_ =	swait.ge [sflag:s22], s20  }
0x9f: {  	s3 =	ssub.s32 $0x0, s20;
	[sflag:s22] =	ssyncset.done $0x0  }
0xa0: {  	[sflag:s22] =	ssyncadd.s32 s3;
	_ =	sdelay $0x1  }
0xa1: {  	s23 =	simm.s32 $0x1B8B  }
0xa2: {  	_ =	swait.ge [sflag:s23], $0x1  }
0xa3: {  	[sflag:s23] =	ssyncset.done $0x0  }
0xa4: {  	s25 =	simm.s32 $0x1B8E;
	s24 =	sld [smem:$0x3FFE];
	[sflag:s23] =	ssyncadd.s32 $0xFFFFFFFF  }
0xa5: {  	s26 =	simm.s32 $execute0_lowered;
	[smem:$0x3FD2] =	sst s25  }
0xa6: {  	s4 =	sshll.u32 s26, $0x1;
	_ =	strace $0x8000004C;
	[dreg:$0x1] =	wrdreg $0xFFFFFFFF  }
0xa7: {  	s28 =	simm.s32 $_size_execute0_lowered;
	s2 =	sadd.s32 s2, s4;
	[dreg:$0x0] =	wrdreg $0x0  }
0xa8: {  	s4 =	sshll.u32 s28, $0x1;
	[dreg:$0x2] =	wrdreg s2  }
0xa9: {  	[dreg:$0x3] =	wrdreg s4  }
0xaa: {  	[dreg:$0x4] =	wrdreg $0xC0  }
0xab: {  	_ =	task [dreg:s6], $0x5FFFF  }
0xac: {  	[dreg:$0x1] =	wrdreg $0xFFFFFFFF  }
0xad: {  	[dreg:$0x0] =	wrdreg $0x60  }
0xae: {  	[dreg:$0x2] =	wrdreg s24  }
0xaf: {  	[dreg:$0x3] =	wrdreg $0x104C00  }
0xb0: {  	[dreg:$0x4] =	wrdreg $0x9  }
0xb1: {  	_ =	task.clear_ibuf [dreg:s6], $0x5FFFF;
	_ =	strace $0x9000004C  }
0xb2: {  	s29 =	simm.s32 $0x9;
	_ =	strace $0x8000004E  }
0xb3: {  	_ =	swait.ge [sflag:s29], $0x1  }
0xb4: {  	[sflag:s29] =	ssyncadd.s32 $0xFFFFFFFF  }
0xb5: {  	_ =	strace $0x9000004E  }
0xb6: {  	_ =	sfence  }
0xb7: {  	s30 =	sld [smem:$0x0];
	_ =	sdelay $0x2  }
0xb8: {  	s31 =	sshll.u32 s1, $0xD;
	s1 =	sshrl.u32 s1, $0x2  }
0xb9: {  	s3 =	sand.u32 $0x4000, s31;
	s1 =	sadd.s32 s1, s30  }
0xba: {  	s0 =	sor.u32 s3, s0;
	s1 =	sshll.u32 s1, $0x11  }
0xbb: {  	s0 =	sor.u32 s1, s0  }
0xbc: {  	s0 =	sadd.s32 $0x8F2B, s0  }
0xbd: {  	[sflag:s0] =	ssyncadd.remote.s32 $0x1  }
0xbe: {  	_ =	sfence.sel $0xFFFF  }
0xbf: {  	[dreg:$0x0] =	wrdreg $0xFFFFFFFF;
	(pc) =	sbr.abs _section_cstart, $3  }
0xc0: {  	[dreg:$0x1] =	wrdreg $0xFFFFFFFF  }
0xc1: {  	_ =	task.clear_ibuf [dreg:s6], $0x2FFFF;
	_ =	strace $0x9FFFFFFF  }
0xc2: {  	(tm) =	ssettm $0x7FFFFFFF  }
0xc3: {  	_ =	shalt  }
tec
execute0_lowered:
.L_overlay_start_1:
0x0: {  	(tag) =	ssettag $0x1  }
0x1: {  	s6 =	rddreg [dreg:$0x0]  }
0x2: {  	s2 =	rddreg [dreg:$0x1]  }
0x3: {  	s0 =	rddreg [dreg:$0x2]  }
0x4: {  	s3 =	simm.s32 $0x0;
	s4 =	srdreg.scid;
	s1 =	stileid.u32  }
0x5: {  	s15 =	simm.s32 $0x4F00;
	s16 =	simm.s32 $0xB680;
	s17 =	simm.s32 $0x80  }
0x6: {  	s18 =	simm.s32 $0x7680;
	s19 =	simm.s32 $0x9680;
	s20 =	simm.s32 $0x1  }
0x7: {  	s21 =	simm.s32 $0x2;
	s23 =	simm.s32 $0x0;
	[smem:$0x7FF] =	sst s3  }
0x8: {  	s7 =	sand.u32 $0x1, s4;
	s9 =	smul.u32 $0x9C80, s1;
	s4 =	sadd.s32 $0x101000, s6  }
0x9: {  	s5 =	sadd.s32 $0x51000, s6;
	s12 =	smul.u32 $0x27200, s1;
	s22 =	sshll.u32 s1, $0x6  }
0xa: {  	_ =	strace $0x8000004D;
	s8 =	sshll.u32 s7, $0x4;
	s10 =	smul.u32 $0x9C800, s7  }
0xb: {  	s7 =	ssub.s32 $0x2, s7;
	s22 =	sor.u32 $0x1C03, s22;
	s8 =	sor.u32 s1, s8  }
0xc: {  	s11 =	sshrl.u32 s7, $0x1;
	s31 =	sshrl.u32 s12, $0x2;
	s8 =	smul.u32 $0x4F0, s8  }
0xd: {  	s10 =	sadd.s32 s9, s10;
	s14 =	ssub.s32 s7, s11;
	s9 =	sadd.s32 s9, s2  }
0xe: {  	s10 =	sshrl.u32 s10, $0x3;
	s12 =	smax.u32 s14, $0x1;
	s14 =	simm.s32 $0x2780  }
0xf: {  	s8 =	sadd.s32 s8, s6;
	s13 =	sadd.s32 s10, s6;
	s10 =	sadd.s32 s31, s2  }
0x10: {  	s6 =	sadd.s32 $0x33600, s8;
	s7 =	sadd.s32 $0x3D400, s8;
	s8 =	sadd.s32 $0x47200, s8  }
0x11: {  	v0 =	vimm.f32 $0.0e+00;
	s10 =	sadd.s32 $0x4E40, s10;
	s11 =	sadd.s32 $0x2400, s13;
	s13 =	simm.s32 $0x3  }
.LBB2_1:
0x12: {  	[tilespmem:s3], [sflag:$0x3] =	stream.linear.gather [hbm4b:s6+s3], $0x2780, $0x38;
	[tilespmem:$0x1A140] =	vst v63  }
0x13: {  	_ =	swait.ge [sflag:s13], $0x2780  }
0x14: {  	[sflag:s13] =	ssyncset.done $0x0  }
0x15: {  	[sflag:s13] =	ssyncadd.s32 $0xFFFFD880  }
0x16: {  	[tilespmem:s14], [sflag:$0x3] =	stream.linear.gather [hbm4b:s7+s3], $0x2780, $0x38;
	[tilespmem:$0x1A140] =	vst v63  }
0x17: {  	_ =	swait.ge [sflag:s13], $0x2780  }
0x18: {  	[sflag:s13] =	ssyncset.done $0x0  }
0x19: {  	[sflag:s13] =	ssyncadd.s32 $0xFFFFD880  }
0x1a: {  	[tilespmem:s15], [sflag:$0x3] =	stream.linear.gather [hbm4b:s8+s3], $0x2780, $0x38;
	[tilespmem:$0x1A140] =	vst v63  }
0x1b: {  	_ =	swait.ge [sflag:s13], $0x2780  }
0x1c: {  	[sflag:s13] =	ssyncset.done $0x0  }
0x1d: {  	s25 =	simm.s32 $0x100;
	s24 =	simm.s32 $0x0;
	[sflag:s13] =	ssyncadd.s32 $0xFFFFD880  }
.LBB2_2:
0x1e: {  	p0 =	sne.s32 s25, $0x13800;
	[tilespmem:s24+$0xB6B0] =	vst v0;
	s26 =	smov.u32 s25;
	s25 =	sadd.s32 $0x100, s25  }
.Ltmp0:
0x1f: {  	[tilespmem:s24+$0xB6A0] =	vst v0;
	(pc) =	sbr.rel @p0 .LBB2_2-.Ltmp0, $3  }
0x20: {  	[tilespmem:s24+$0xB680] =	vst v0  }
0x21: {  	[tilespmem:s24+$0xB690] =	vst v0;
	_ =	sdelay $0x1  }
0x22: {  	s24 =	sshra.s32 s26, $0x2  }
0x23: {  	[tilespmem:s24+$0xB6B0] =	vst v0  }
0x24: {  	[tilespmem:s24+$0xB6A0] =	vst v0  }
0x25: {  	[tilespmem:s24+$0xB680] =	vst v0  }
0x26: {  	[tilespmem:s24+$0xB690] =	vst v0  }
0x27: {  	[spmem:s9] =	stream.linear.scatter [tilespmem:s16], [sflag:$0x3], $0x4E40, $0x38;
	[tilespmem:$0x1A140] =	vst v63  }
0x28: {  	_ =	swait.ge [sflag:s13], $0x4E40  }
0x29: {  	[sflag:s13] =	ssyncset.done $0x0  }
0x2a: {  	[sflag:s13] =	ssyncadd.s32 $0xFFFFB1C0  }
0x2b: {  	[spmem:s10] =	stream.linear.scatter [tilespmem:s16], [sflag:$0x3], $0x4E40, $0x38;
	[tilespmem:$0x1A140] =	vst v63  }
0x2c: {  	_ =	swait.ge [sflag:s13], $0x4E40  }
0x2d: {  	[sflag:s13] =	ssyncset.done $0x0  }
0x2e: {  	[sflag:s13] =	ssyncadd.s32 $0xFFFFB1C0  }
0x2f: {  	s24 =	simm.s32 $0x0;
	[bflag:$0x0] =	sbarrier.arrive $0xFFFF  }
.LBB2_4:
0x30: {  	s25 =	sshll.u32 s24, $0x7  }
0x31: {  	[tilespmem:s18], [sflag:$0x1] =	stream.indirect.gather [hbm4b:s4+s17], $0x40, s25, s17, $0xb8;
	[tilespmem:$0x1A140] =	vst v63  }
0x32: {  	s26 =	sadd.s32 $0x2780, s25  }
0x33: {  	[tilespmem:s19], [sflag:$0x2] =	stream.indirect.gather [hbm4b:s5+s17], $0x40, s26, s17, $0xb8;
	[tilespmem:$0x1A140] =	vst v63  }
0x34: {  	_ =	swait.ge [sflag:s20], $0x2000  }
0x35: {  	[sflag:s20] =	ssyncset.done $0x0  }
0x36: {  	[sflag:s20] =	ssyncadd.s32 $0xFFFFE000  }
0x37: {  	_ =	swait.ge [sflag:s21], $0x2000  }
0x38: {  	[sflag:s21] =	ssyncset.done $0x0  }
0x39: {  	s26 =	simm.s32 $0x0;
	[sflag:s21] =	ssyncadd.s32 $0xFFFFE000  }
0x3a: {  	v6 =	vld [tilespmem:s26+$0x9680]  }
0x3b: {  	v7 =	vld [tilespmem:s26+$0x9690]  }
0x3c: {  	v2 =	vld [tilespmem:s26+$0x96A0]  }
0x3d: {  	v1 =	vld [tilespmem:s26+$0x96B0]  }
0x3e: {  	v3 =	vld [tilespmem:s26+$0x7680]  }
0x3f: {  	v5 =	vld [tilespmem:s26+$0x7690]  }
0x40: {  	s28 =	simm.s32 $0x100;
	v4 =	vld [tilespmem:s26+$0x76A0]  }
.LBB2_5:
0x41: {  	s29 =	sshra.s32 s28, $0x2;
	p0 =	sne.s32 s28, $0x7F00;
	v8 =	vld [tilespmem:s26+$0x76B0];
	v9 =	vmov v2  }
0x42: {  	v10 =	vld [tilespmem:s29+$0x9680];
	v11 =	vmov v1  }
0x43: {  	v12 =	vld [tilespmem:s29+$0x9690];
	v3 =	vmul.f32 v6, v3  }
.Ltmp1:
0x44: {  	v2 =	vld [tilespmem:s29+$0x96A0];
	v5 =	vmul.f32 v7, v5;
	(pc) =	sbr.rel @p0 .LBB2_5-.Ltmp1, $4  }
0x45: {  	v1 =	vld [tilespmem:s29+$0x96B0];
	[tilespmem:s26+$0x7680] =	vst v3;
	v4 =	vmul.f32 v9, v4  }
0x46: {  	v3 =	vld [tilespmem:s29+$0x7680];
	[tilespmem:s26+$0x7690] =	vst v5;
	v8 =	vmul.f32 v11, v8  }
0x47: {  	v5 =	vld [tilespmem:s29+$0x7690];
	[tilespmem:s26+$0x76A0] =	vst v4;
	v6 =	vmov v10  }
0x48: {  	s28 =	sadd.s32 $0x100, s28;
	v4 =	vld [tilespmem:s29+$0x76A0];
	[tilespmem:s26+$0x76B0] =	vst v8;
	v7 =	vmov v12;
	s26 =	smov.u32 s29  }
0x49: {  	v8 =	vld [tilespmem:s26+$0x76B0];
	_ =	sdelay $0x1  }
0x4a: {  	v3 =	vmul.f32 v6, v3  }
0x4b: {  	v5 =	vmul.f32 v7, v5  }
0x4c: {  	[tilespmem:s26+$0x7680] =	vst v3;
	v2 =	vmul.f32 v2, v4  }
0x4d: {  	s24 =	sadd.s32 $0x1, s24;
	[tilespmem:s26+$0x7690] =	vst v5;
	v1 =	vmul.f32 v1, v8  }
0x4e: {  	p0 =	sne.s32 s24, $0x4F;
	[tilespmem:s26+$0x76A0] =	vst v2  }
.Ltmp2:
0x4f: {  	s25 =	sadd.s32 $0x4F00, s25;
	[tilespmem:s26+$0x76B0] =	vst v1;
	(pc) =	sbr.rel @p0 .LBB2_4-.Ltmp2, $4  }
0x50: {  	[spmem:s2] =	stream.indirect.scatter.add.f32 [tilespmem:s18], [sflag:$0x3], $0x40, s25, s17, $0xb8;
	[tilespmem:$0x1A140] =	vst v63  }
0x51: {  	_ =	swait.ge [sflag:s13], $0x2000  }
0x52: {  	[sflag:s13] =	ssyncset.done $0x0  }
0x53: {  	[sflag:s13] =	ssyncadd.s32 $0xFFFFE000  }
0x54: {  	s23 =	sadd.s32 $0x1, s23  }
0x55: {  	p0 =	sne.s32 s23, s12  }
.Ltmp3:
0x56: {  	[bflag:$0x0] =	sbarrier.arrive $0xFFFF;
	s24 =	sshrl.u32 s9, $0x3;
	(pc) =	sbr.rel @p0 .LBB2_1-.Ltmp3, $4  }
0x57: {  	[hbm:s11], [sflag:s22] =	dma.local [spmem:s24], $0x1390  }
0x58: {  	_ =	swait.ge [sflag:s13], $0x1390  }
0x59: {  	[sflag:s13] =	ssyncset.done $0x0  }
0x5a: {  	[sflag:s13] =	ssyncadd.s32 $0xFFFFEC70  }
0x5b: {  	_ =	sfence.sel $0x180000  }
0x5c: {  	[bflag:$0x0] =	sbarrier.arrive $0xFFFF  }
0x5d: {  	p0 =	sne.s32 s1, $0x0;
	_ =	strace $0x9000004D  }
0x5e: {  	s0 =	sadd.s32 @!p0 $0x100000, s0;
	[bflag:$0x2] =	sbarrier.arrive $0xFFFF  }
0x5f: {  	[sflag:s0] =	ssyncadd.tile.s32 @!p0 $0x1;
	_ =	shalt  }
.Lfunc_end2:
_tile_overlayer_lowered:
.L_overlay_start_2:
0x60: {  	(tag) =	ssettag $0x2  }
0x61: {  	s0 =	rddreg [dreg:$0x0];
	s2 =	stileid.u32  }
0x62: {  	s1 =	rddreg [dreg:$0x1];
	p0 =	sne.s32 s2, $0x0  }
0x63: {  	s3 =	rddreg [dreg:$0x2];
	[bflag:$0x3] =	sbarrier.arrive $0xFFFF;
	s2 =	simm.s32 @!p0 $0x1C03  }
0x64: {  	[timem:s3], [sflag:s2] =	dma.local @!p0 [hbm:s0], s1  }
0x65: {  	s0 =	simm.s32 @!p0 $0x3  }
0x66: {  	_ =	swait.ge @!p0 [sflag:s0], s1  }
0x67: {  	s1 =	ssub.s32 @!p0 $0x0, s1;
	[sflag:s0] =	ssyncset.done @!p0 $0x0  }
0x68: {  	[sflag:s0] =	ssyncadd.s32 @!p0 s1  }
0x69: {  	[bflag:$0x3] =	sbarrier.arrive $0xFFFF  }
0x6a: {  	_ =	shalt  }

// kernel: rgcn_sc_index_count.3.cloned.1.call-start
scs
__scs_entry_jumppad:
0x0: {  	(pc) =	sbr.rel $0x88, $3  }
0x1: {  	(tag) =	ssettag $0x0;
	lr =	simm.s32 $0x1  }
0x2: {  	[smem:$0x3F96] =	sst lr;
	_ =	strace $0xD0000000  }
0x3: {  	_ = 	snop  }
0x4: {  	_ = 	snop  }
0x5: {  	_ = 	snop  }
0x6: {  	_ = 	snop  }
0x7: {  	_ = 	snop  }
__scs_overlays_trampoline_lowered:
0x8: {  	[smem:$0x3FA5] =	sst s0  }
0x9: {  	[smem:$0x3FA6] =	sst s1  }
0xa: {  	[smem:$0x3FA7] =	sst s2  }
0xb: {  	[smem:$0x3FA8] =	sst s3  }
0xc: {  	[smem:$0x3FA9] =	sst s4  }
0xd: {  	[smem:$0x3FAA] =	sst s5  }
0xe: {  	[smem:$0x3FAB] =	sst s6  }
0xf: {  	[smem:$0x3FAC] =	sst s7  }
0x10: {  	[smem:$0x3FAD] =	sst s8  }
0x11: {  	[smem:$0x3FAE] =	sst s9;
	s0 =	simm.s32 @!p0 $0x0  }
0x12: {  	s1 =	sld [smem:$0x3F94];
	s0 =	simm.s32 @p0 $0x1  }
0x13: {  	[smem:$0x3FAF] =	sst s0;
	s0 =	simm.s32 @!p1 $0x0  }
0x14: {  	s2 =	sld [smem:$0x3F93];
	s0 =	simm.s32 @p1 $0x1  }
0x15: {  	[smem:$0x3FB0] =	sst s0;
	s0 =	simm.s32 @!p2 $0x0  }
0x16: {  	s3 =	sld [smem:$0x3FDB];
	s0 =	simm.s32 @p2 $0x1  }
0x17: {  	s4 =	simm.s32 $0x1BF5;
	[smem:$0x3FB2] =	sst s0  }
0x18: {  	s0 =	sld [smem:$0x3F95];
	_ =	swait.ge [sflag:s4], $0x0  }
0x19: {  	s7 =	sld [smem:$0x3F96]  }
0x1a: {  	s8 =	sadd.s32 $0xFFFFE003, lr  }
0x1b: {  	s9 =	sadd.s32 $0xFFFFFEF7, lr;
	s5 =	simm.s32 $0xFFFFFFFF;
	p2 =	slt.u32 s8, $0xFFFFF086  }
0x1c: {  	p1 =	slt.u32 s9, $0xF7A;
	s5 =	simm.s32 @!p2 $0x0  }
0x1d: {  	s5 =	simm.s32 @p1 $0x1;
	p0 =	seq.s32 s7, s2  }
0x1e: {  	s7 =	smul.u32 @!p0 $0xF7A, s2;
	p2 =	seq.s32 @!p0 s5, $0x0  }
0x1f: {  	s9 =	smul.u32 $0xF7A, s1;
	s8 =	simm.s32 @!p0 $0x1BF5;
	p2 =	por !p2, p0  }
0x20: {  	[sflag:s8] =	ssyncset.s32 @!p0 $0xFFFFF086;
	s6 =	sadd.s32 @!p0 s3, s7;
	s7 =	simm.s32 @!p0 $0x108  }
0x21: {  	s3 =	sadd.s32 s3, s9;
	s6 =	sadd.s32 @!p0 $0x88, s6;
	s7 =	simm.s32 @p2 $0x1082  }
0x22: {  	[simem:s7], [sflag:s8] =	dma.local @!p0 [hbm:s6], $0xF7A  }
0x23: {  	s9 =	sor.u32 $0xD0000000, s2;
	s6 =	simm.s32 $0x108;
	_ =	swait.ge @!p0 [sflag:s8], $0x0  }
0x24: {  	s3 =	sadd.s32 $0x88, s3;
	s6 =	simm.s32 @!p1 $0x1082;
	[sflag:s4] =	ssyncset.s32 $0xFFFFF086  }
0x25: {  	[simem:s6], [sflag:s4] =	dma.local [hbm:s3], $0xF7A  }
0x26: {  	[smem:$0x3F96] =	sst s1;
	(tag) =	ssettag s2;
	_ =	strace s9  }
0x27: {  	s1 =	sld [smem:$0x3FA6]  }
0x28: {  	s2 =	sld [smem:$0x3FA7]  }
0x29: {  	s4 =	sld [smem:$0x3FA9]  }
0x2a: {  	p0 =	seq.s32 s5, $0x0;
	s5 =	sld [smem:$0x3FAA]  }
0x2b: {  	s6 =	sld [smem:$0x3FAB]  }
0x2c: {  	s7 =	sld [smem:$0x3FAC]  }
0x2d: {  	s3 =	simm.s32 $0x108;
	s8 =	sld [smem:$0x3FAD]  }
0x2e: {  	s3 =	simm.s32 @!p0 $0x1082;
	s9 =	sld [smem:$0x3FAE]  }
0x2f: {  	lr =	sadd.s32 s0, s3;
	s0 =	sld [smem:$0x3FA5]  }
0x30: {  	s3 =	sld [smem:$0x3FA8]  }
0x31: {  	[smem:$0x3FB1] =	sst s10  }
0x32: {  	s10 =	sld [smem:$0x3FAF];
	_ =	sdelay $0x3  }
0x33: {  	p0 =	seq.s32 s10, $0x1;
	s10 =	sld [smem:$0x3FB1];
	_ =	sdelay $0x3  }
0x34: {  	[smem:$0x3FB1] =	sst s10  }
0x35: {  	s10 =	sld [smem:$0x3FB0];
	_ =	sdelay $0x3  }
0x36: {  	p1 =	seq.s32 s10, $0x1;
	s10 =	sld [smem:$0x3FB1];
	_ =	sdelay $0x3  }
0x37: {  	[smem:$0x3FB1] =	sst s10  }
0x38: {  	s10 =	sld [smem:$0x3FB2]  }
0x39: {  	_ = 	snop;
	(pc) =	sbr.ind lr, $3  }
0x3a: {  	_ = 	snop  }
0x3b: {  	_ = 	snop  }
0x3c: {  	p2 =	seq.s32 s10, $0x1;
	s10 =	sld [smem:$0x3FB1]  }
0x3d: {  	_ =	shalt  }
0x3e: {  	_ =	shalt  }
0x3f: {  	_ =	shalt  }
0x40: {  	_ =	shalt  }
0x41: {  	_ =	shalt  }
0x42: {  	_ =	shalt  }
0x43: {  	_ =	shalt  }
0x44: {  	_ =	shalt  }
0x45: {  	_ =	shalt  }
0x46: {  	_ =	shalt  }
0x47: {  	_ =	shalt  }
0x48: {  	_ =	shalt  }
0x49: {  	_ =	shalt  }
0x4a: {  	_ =	shalt  }
0x4b: {  	_ =	shalt  }
0x4c: {  	_ =	shalt  }
0x4d: {  	_ =	shalt  }
0x4e: {  	_ =	shalt  }
0x4f: {  	_ =	shalt  }
0x50: {  	_ =	shalt  }
0x51: {  	_ =	shalt  }
0x52: {  	_ =	shalt  }
0x53: {  	_ =	shalt  }
0x54: {  	_ =	shalt  }
0x55: {  	_ =	shalt  }
0x56: {  	_ =	shalt  }
0x57: {  	_ =	shalt  }
0x58: {  	_ =	shalt  }
0x59: {  	_ =	shalt  }
0x5a: {  	_ =	shalt  }
0x5b: {  	_ =	shalt  }
0x5c: {  	_ =	shalt  }
0x5d: {  	_ =	shalt  }
0x5e: {  	_ =	shalt  }
0x5f: {  	_ =	shalt  }
0x60: {  	_ =	shalt  }
0x61: {  	_ =	shalt  }
0x62: {  	_ =	shalt  }
0x63: {  	_ =	shalt  }
0x64: {  	_ =	shalt  }
0x65: {  	_ =	shalt  }
0x66: {  	_ =	shalt  }
0x67: {  	_ =	shalt  }
0x68: {  	_ =	shalt  }
0x69: {  	_ =	shalt  }
0x6a: {  	_ =	shalt  }
0x6b: {  	_ =	shalt  }
0x6c: {  	_ =	shalt  }
0x6d: {  	_ =	shalt  }
0x6e: {  	_ =	shalt  }
0x6f: {  	_ =	shalt  }
0x70: {  	_ =	shalt  }
0x71: {  	_ =	shalt  }
0x72: {  	_ =	shalt  }
0x73: {  	_ =	shalt  }
0x74: {  	_ =	shalt  }
0x75: {  	_ =	shalt  }
0x76: {  	_ =	shalt  }
0x77: {  	_ =	shalt  }
0x78: {  	_ =	shalt  }
0x79: {  	_ =	shalt  }
0x7a: {  	_ =	shalt  }
0x7b: {  	_ =	shalt  }
0x7c: {  	_ =	shalt  }
0x7d: {  	_ =	shalt  }
0x7e: {  	_ =	shalt  }
0x7f: {  	_ =	shalt  }
0x80: {  	_ =	shalt  }
0x81: {  	_ =	shalt  }
0x82: {  	_ =	shalt  }
0x83: {  	_ =	shalt  }
0x84: {  	_ =	shalt  }
0x85: {  	_ =	shalt  }
0x86: {  	_ =	shalt  }
0x87: {  	_ =	shalt  }
.Lfunc_end0:
.L_simem_size_0:
called_computation_lowered:
.L_overlay_start_0:
0x88: {  	s2 =	sld [smem:$0x3FD9]  }
0x89: {  	s3 =	sld [smem:$0x3FFE];
	_ =	sdelay $0x1  }
0x8a: {  	s1 =	srdreg.scid  }
0x8b: {  	s0 =	sand.u32 $0x1, s1  }
0x8c: {  	s17 =	sshll.u32 s0, $0xA;
	s2 =	sadd.s32 s3, s2  }
0x8d: {  	s2 =	sadd.s32 s2, s17  }
0x8e: {  	[smem:$0x3FBD] =	sst s2  }
0x8f: {  	_ = 	snop  }
0x90: {  	s2 =	sld [smem:$0x3FC7];
	(tm) =	ssettm $0x1  }
0x91: {  	s18 =	sld [smem:$0x3FFB];
	_ =	sdelay $0x3  }
0x92: {  	_ =	strace s18  }
0x93: {  	s3 =	sld [smem:$0x3FFC];
	_ =	sdelay $0x3  }
0x94: {  	_ =	strace s3  }
0x95: {  	s3 =	sld [smem:$0x3FFD];
	_ =	sdelay $0x3  }
0x96: {  	_ =	strace s3  }
0x97: {  	_ =	strace $0x8FFFFFFF  }
0x98: {  	s19 =	sld [smem:$0x3FDB];
	_ =	sdelay $0x1  }
0x99: {  	s4 =	simm.s32 $_scs_section_size  }
0x9a: {  	s5 =	simm.s32 $_size__tile_overlayer_lowered;
	s6 =	simm.s32 $_tile_overlayer_lowered  }
0x9b: {  	s22 =	simm.s32 $0x1BFF;
	s21 =	sshll.u32 s6, $0x1;
	s3 =	sadd.s32 s4, s19  }
0x9c: {  	s7 =	simm.s32 $0x0;
	s20 =	sshll.u32 s5, $0x1;
	s5 =	sadd.s32 s21, s3  }
0x9d: {  	[timem:s7], [sflag:s22] =	dma.local [hbm:s5], s20  }
0x9e: {  	_ =	swait.ge [sflag:s22], s20  }
0x9f: {  	s4 =	ssub.s32 $0x0, s20;
	[sflag:s22] =	ssyncset.done $0x0  }
0xa0: {  	[sflag:s22] =	ssyncadd.s32 s4;
	_ =	sdelay $0x1  }
0xa1: {  	s23 =	simm.s32 $0x1B8B  }
0xa2: {  	_ =	swait.ge [sflag:s23], $0x1  }
0xa3: {  	[sflag:s23] =	ssyncset.done $0x0  }
0xa4: {  	s25 =	simm.s32 $0x1B8E;
	s24 =	sld [smem:$0x3FFE];
	[sflag:s23] =	ssyncadd.s32 $0xFFFFFFFF  }
0xa5: {  	s26 =	simm.s32 $execute0_lowered;
	[smem:$0x3FD2] =	sst s25  }
0xa6: {  	s5 =	sshll.u32 s26, $0x1;
	_ =	strace $0x80000046;
	[dreg:$0x1] =	wrdreg $0xFFFFFFFF  }
0xa7: {  	s28 =	simm.s32 $_size_execute0_lowered;
	s3 =	sadd.s32 s3, s5;
	[dreg:$0x0] =	wrdreg $0x0  }
0xa8: {  	s5 =	sshll.u32 s28, $0x1;
	[dreg:$0x2] =	wrdreg s3  }
0xa9: {  	[dreg:$0x3] =	wrdreg s5  }
0xaa: {  	[dreg:$0x4] =	wrdreg $0xC0  }
0xab: {  	_ =	task [dreg:s7], $0x5FFFF  }
0xac: {  	[dreg:$0x1] =	wrdreg $0xFFFFFFFF  }
0xad: {  	[dreg:$0x0] =	wrdreg $0x60  }
0xae: {  	[dreg:$0x2] =	wrdreg s24  }
0xaf: {  	[dreg:$0x3] =	wrdreg s2  }
0xb0: {  	[dreg:$0x4] =	wrdreg $0x102600  }
0xb1: {  	[dreg:$0x5] =	wrdreg $0x9  }
0xb2: {  	_ =	task.clear_ibuf [dreg:s7], $0x6FFFF;
	_ =	strace $0x90000046  }
0xb3: {  	s29 =	simm.s32 $0x9;
	_ =	strace $0x80000048  }
0xb4: {  	_ =	swait.ge [sflag:s29], $0x1  }
0xb5: {  	[sflag:s29] =	ssyncadd.s32 $0xFFFFFFFF  }
0xb6: {  	_ =	strace $0x90000048  }
0xb7: {  	_ =	sfence  }
0xb8: {  	s30 =	sld [smem:$0x0];
	_ =	sdelay $0x2  }
0xb9: {  	s31 =	sshll.u32 s1, $0xD;
	s1 =	sshrl.u32 s1, $0x2  }
0xba: {  	s3 =	sand.u32 $0x4000, s31;
	s1 =	sadd.s32 s1, s30  }
0xbb: {  	s0 =	sor.u32 s3, s0;
	s1 =	sshll.u32 s1, $0x11  }
0xbc: {  	s0 =	sor.u32 s1, s0  }
0xbd: {  	s0 =	sadd.s32 $0x8F2B, s0  }
0xbe: {  	[sflag:s0] =	ssyncadd.remote.s32 $0x1  }
0xbf: {  	_ =	sfence.sel $0xFFFF  }
0xc0: {  	[dreg:$0x0] =	wrdreg $0xFFFFFFFF;
	(pc) =	sbr.abs _section_cstart, $3  }
0xc1: {  	[dreg:$0x1] =	wrdreg $0xFFFFFFFF  }
0xc2: {  	_ =	task.clear_ibuf [dreg:s7], $0x2FFFF;
	_ =	strace $0x9FFFFFFF  }
0xc3: {  	(tm) =	ssettm $0x7FFFFFFF  }
tec
execute0_lowered:
.L_overlay_start_1:
0x0: {  	(tag) =	ssettag $0x1  }
0x1: {  	s0 =	srdreg.scid  }
0x2: {  	s1 =	rddreg [dreg:$0x0];
	s10 =	stileid.u32  }
0x3: {  	s6 =	rddreg [dreg:$0x1];
	s3 =	simm.s32 $0x0;
	s20 =	simm.s32 $0x1  }
0x4: {  	s23 =	simm.s32 $0xF3B0;
	s28 =	simm.s32 $0x80;
	s29 =	simm.s32 $0xEBB0  }
0x5: {  	s30 =	simm.s32 $0x0;
	s0 =	sand.u32 $0x1, s0;
	s8 =	smul.u32 $0x7580, s10  }
0x6: {  	[smem:$0x7FF] =	sst s3;
	s2 =	sshll.u32 s0, $0x4;
	s5 =	smul.u32 $0x75800, s0  }
0x7: {  	s0 =	ssub.s32 $0x2, s0;
	s4 =	sor.u32 s10, s2;
	s10 =	smul.u32 $0x1D600, s10  }
0x8: {  	s2 =	rddreg [dreg:$0x2];
	_ =	strace $0x80000047;
	s7 =	smul.u32 $0x4E2, s4  }
0x9: {  	s31 =	sshrl.u32 s0, $0x1;
	s4 =	smul.u32 $0x4F0, s4;
	s5 =	sadd.s32 s8, s5  }
0xa: {  	s0 =	ssub.s32 s0, s31;
	s26 =	sshrl.u32 s5, $0x3;
	s10 =	sshrl.u32 s10, $0x2  }
0xb: {  	s19 =	smax.u32 s0, $0x1;
	s9 =	sadd.s32 s7, s1;
	s17 =	sadd.s32 s4, s1  }
0xc: {  	s1 =	sadd.s32 s26, s1;
	s14 =	sadd.s32 s10, s2;
	s6 =	sadd.s32 s6, s7  }
0xd: {  	s7 =	sadd.s32 s8, s2;
	s26 =	simm.s32 $0xC430;
	s4 =	sadd.s32 $0xC200, s9  }
0xe: {  	s5 =	sadd.s32 $0x2400, s9;
	s8 =	sadd.s32 $0xEB0, s14;
	s9 =	sadd.s32 $0x1D60, s14  }
0xf: {  	s10 =	sadd.s32 $0x2C10, s14;
	s11 =	sadd.s32 $0x3AC0, s14;
	s12 =	sadd.s32 $0x4970, s14  }
0x10: {  	v0 =	vimm.f32 $0.0e+00;
	vm0 =	vcmask $0x300;
	s13 =	sadd.s32 $0x5820, s14;
	s14 =	sadd.s32 $0x66D0, s14;
	s15 =	sadd.s32 $0x33600, s17  }
0x11: {  	v1 =	vsel vm0, $0x3F800000, v0;
	s16 =	sadd.s32 $0x3D400, s17;
	s17 =	sadd.s32 $0x47200, s17;
	s18 =	sadd.s32 $0x16000, s1  }
.LBB2_1:
0x12: {  	[tilespmem:s3], [sflag:$0x1] =	stream.linear.gather [hbm4b:s4+s3], $0x2710, $0x38;
	[tilespmem:$0x177E0] =	vst v63  }
0x13: {  	_ =	swait.ge [sflag:s20], $0x2710  }
0x14: {  	[sflag:s20] =	ssyncset.done $0x0  }
0x15: {  	s0 =	simm.s32 $0x2710;
	[sflag:s20] =	ssyncadd.s32 $0xFFFFD8F0  }
0x16: {  	[tilespmem:s0], [sflag:$0x1] =	stream.linear.gather [hbm4b:s5+s3], $0x2710, $0x38;
	[tilespmem:$0x177E0] =	vst v63  }
0x17: {  	_ =	swait.ge [sflag:s20], $0x2710  }
0x18: {  	[sflag:s20] =	ssyncset.done $0x0  }
0x19: {  	s31 =	simm.s32 $0x4E20;
	[sflag:s20] =	ssyncadd.s32 $0xFFFFD8F0  }
0x1a: {  	[tilespmem:s31], [sflag:$0x1] =	stream.linear.gather [hbm4b:s6+s3], $0x2710, $0x38;
	[tilespmem:$0x177E0] =	vst v63  }
0x1b: {  	_ =	swait.ge [sflag:s20], $0x2710  }
0x1c: {  	[sflag:s20] =	ssyncset.done $0x0  }
0x1d: {  	s0 =	simm.s32 $0x0;
	[sflag:s20] =	ssyncadd.s32 $0xFFFFD8F0  }
.LBB2_2:
0x1e: {  	p0 =	sne.s32 s0, $0x1FC0  }
.Ltmp0:
0x1f: {  	_ = 	snop;
	(pc) =	sbr.rel @p0 .LBB2_2-.Ltmp0, $3  }
0x20: {  	_ =	sdelay $0x1  }
0x21: {  	s1 =	sshra.s32 s0, $0x2  }
0x22: {  	s0 =	sadd.s32 $0x40, s0;
	[tilespmem:s1+$0xEBB0] =	vst v1  }
0x23: {  	s0 =	simm.s32 $0x40;
	s1 =	simm.s32 $0x0  }
.LBB2_4:
0x24: {  	p0 =	sne.s32 s0, $0x3A80;
	[tilespmem:s1+$0xF3B0] =	vst v0;
	s1 =	smov.u32 s0;
	s0 =	sadd.s32 $0x40, s0  }
.Ltmp1:
0x25: {  	(pc) =	sbr.rel @p0 .LBB2_4-.Ltmp1, $2  }
0x26: {  	_ =	sdelay $0x2  }
0x27: {  	s1 =	sshra.s32 s1, $0x2  }
0x28: {  	[tilespmem:s1+$0xF3B0] =	vst v0  }
0x29: {  	[spmem:s7] =	stream.linear.scatter [tilespmem:s23], [sflag:$0x1], $0xEB0, $0x38;
	[tilespmem:$0x177E0] =	vst v63  }
0x2a: {  	_ =	swait.ge [sflag:s20], $0xEB0  }
0x2b: {  	[sflag:s20] =	ssyncset.done $0x0  }
0x2c: {  	[sflag:s20] =	ssyncadd.s32 $0xFFFFF150  }
0x2d: {  	[spmem:s8] =	stream.linear.scatter [tilespmem:s23], [sflag:$0x1], $0xEB0, $0x38;
	[tilespmem:$0x177E0] =	vst v63  }
0x2e: {  	_ =	swait.ge [sflag:s20], $0xEB0  }
0x2f: {  	[sflag:s20] =	ssyncset.done $0x0  }
0x30: {  	[sflag:s20] =	ssyncadd.s32 $0xFFFFF150  }
0x31: {  	[spmem:s9] =	stream.linear.scatter [tilespmem:s23], [sflag:$0x1], $0xEB0, $0x38;
	[tilespmem:$0x177E0] =	vst v63  }
0x32: {  	_ =	swait.ge [sflag:s20], $0xEB0  }
0x33: {  	[sflag:s20] =	ssyncset.done $0x0  }
0x34: {  	[sflag:s20] =	ssyncadd.s32 $0xFFFFF150  }
0x35: {  	[spmem:s10] =	stream.linear.scatter [tilespmem:s23], [sflag:$0x1], $0xEB0, $0x38;
	[tilespmem:$0x177E0] =	vst v63  }
0x36: {  	_ =	swait.ge [sflag:s20], $0xEB0  }
0x37: {  	[sflag:s20] =	ssyncset.done $0x0  }
0x38: {  	[sflag:s20] =	ssyncadd.s32 $0xFFFFF150  }
0x39: {  	[spmem:s11] =	stream.linear.scatter [tilespmem:s23], [sflag:$0x1], $0xEB0, $0x38;
	[tilespmem:$0x177E0] =	vst v63  }
0x3a: {  	_ =	swait.ge [sflag:s20], $0xEB0  }
0x3b: {  	[sflag:s20] =	ssyncset.done $0x0  }
0x3c: {  	[sflag:s20] =	ssyncadd.s32 $0xFFFFF150  }
0x3d: {  	[spmem:s12] =	stream.linear.scatter [tilespmem:s23], [sflag:$0x1], $0xEB0, $0x38;
	[tilespmem:$0x177E0] =	vst v63  }
0x3e: {  	_ =	swait.ge [sflag:s20], $0xEB0  }
0x3f: {  	[sflag:s20] =	ssyncset.done $0x0  }
0x40: {  	[sflag:s20] =	ssyncadd.s32 $0xFFFFF150  }
0x41: {  	[spmem:s13] =	stream.linear.scatter [tilespmem:s23], [sflag:$0x1], $0xEB0, $0x38;
	[tilespmem:$0x177E0] =	vst v63  }
0x42: {  	_ =	swait.ge [sflag:s20], $0xEB0  }
0x43: {  	[sflag:s20] =	ssyncset.done $0x0  }
0x44: {  	[sflag:s20] =	ssyncadd.s32 $0xFFFFF150  }
0x45: {  	[spmem:s14] =	stream.linear.scatter [tilespmem:s23], [sflag:$0x1], $0xEB0, $0x38;
	[tilespmem:$0x177E0] =	vst v63  }
0x46: {  	_ =	swait.ge [sflag:s20], $0xEB0  }
0x47: {  	s0 =	simm.s32 $0x0;
	[sflag:s20] =	ssyncset.done $0x0  }
0x48: {  	s0 =	smin.u32 s0, $0x2700;
	[sflag:s20] =	ssyncadd.s32 $0xFFFFF150  }
0x49: {  	v2 =	vld [tilespmem:s0+$0x4E20];
	_ =	sdelay $0x1  }
0x4a: {  	v3 =	vld [tilespmem:s0+$0x0]  }
0x4b: {  	v4 =	vld [tilespmem:s0+$0x2710];
	_ =	sdelay $0x1  }
0x4c: {  	v2 =	vmul.u32 $0x2710, v2;
	_ =	sdelay $0x1  }
0x4d: {  	p0 =	por $0x1, $0x1;
	v3 =	vadd.s32 v3, v2  }
0x4e: {  	s31 =	simm.s32 $0x7530;
	v2 =	vadd.s32 v4, v2;
	v3 =	vpsel !p0, $0x0, v3  }
0x4f: {  	s1 =	simm.s32 $0x9CB0;
	v2 =	vpsel !p0, $0x7530, v2;
	[tilespmem:s31+$0x0] =	vst v3  }
0x50: {  	s21 =	simm.s32 $0x10;
	s0 =	simm.s32 $0xC430;
	v3 =	vpsel !p0, $0x2710, v4;
	[tilespmem:s1+$0x0] =	vst v2  }
0x51: {  	s25 =	smin.u32 s21, $0x2700;
	[tilespmem:s0+$0x0] =	vst v3  }
0x52: {  	v3 =	vld [tilespmem:s25+$0x4E20]  }
0x53: {  	s22 =	simm.s32 $0x1;
	s24 =	simm.s32 $0x2;
	v2 =	vld [tilespmem:s25+$0x0]  }
.LBB2_6:
0x54: {  	p0 =	sne.s32 s24, $0x277;
	v4 =	vld [tilespmem:s25+$0x2710];
	_ =	sdelay $0x2  }
0x55: {  	v3 =	vmul.u32 $0x2710, v3  }
0x56: {  	p1 =	slt.u32 s22, $0x271;
	s22 =	smov.u32 s24  }
0x57: {  	v2 =	vadd.s32 v2, v3;
	v5 =	vpsel !p1, $0x2710, v4  }
0x58: {  	s31 =	sadd.s32 $0x10, s31;
	v3 =	vadd.s32 v4, v3;
	v2 =	vpsel !p1, $0x0, v2  }
.Ltmp2:
0x59: {  	s1 =	sadd.s32 $0x10, s1;
	v3 =	vpsel !p1, $0x7530, v3;
	[tilespmem:s31+$0x0] =	vst v2;
	(pc) =	sbr.rel @p0 .LBB2_6-.Ltmp2, $4  }
0x5a: {  	s21 =	sadd.s32 $0x10, s21;
	s0 =	sadd.s32 $0x10, s0;
	[tilespmem:s1+$0x0] =	vst v3  }
0x5b: {  	s25 =	smin.u32 s21, $0x2700;
	[tilespmem:s0+$0x0] =	vst v5  }
0x5c: {  	v3 =	vld [tilespmem:s25+$0x4E20]  }
0x5d: {  	s24 =	sadd.s32 $0x1, s24;
	v2 =	vld [tilespmem:s25+$0x0]  }
0x5e: {  	_ = 	snop  }
0x5f: {  	v4 =	vld [tilespmem:s25+$0x2710];
	_ =	sdelay $0x1  }
0x60: {  	v3 =	vmul.u32 $0x2710, v3;
	_ =	sdelay $0x1  }
0x61: {  	p0 =	slt.u32 s22, $0x271;
	v2 =	vadd.s32 v2, v3  }
0x62: {  	s21 =	sadd.s32 $0x10, s31;
	v3 =	vadd.s32 v4, v3;
	v2 =	vpsel !p0, $0x0, v2  }
0x63: {  	s1 =	sadd.s32 $0x10, s1;
	v3 =	vpsel !p0, $0x7530, v3;
	[tilespmem:s21+$0x0] =	vst v2  }
0x64: {  	s0 =	sadd.s32 $0x10, s0;
	v2 =	vpsel !p0, $0x2710, v4;
	[tilespmem:s1+$0x0] =	vst v3  }
0x65: {  	s22 =	simm.s32 $0x0;
	s24 =	simm.s32 $0x7530;
	[tilespmem:s0+$0x0] =	vst v2  }
0x66: {  	[hbm4b:s15+s22] =	stream.linear.scatter [tilespmem:s24], [sflag:$0x1], $0x2780, $0x38;
	[tilespmem:$0x177E0] =	vst v63  }
0x67: {  	_ =	swait.ge [sflag:s20], $0x2780  }
0x68: {  	[sflag:s20] =	ssyncset.done $0x0  }
0x69: {  	s25 =	simm.s32 $0x9CB0;
	[sflag:s20] =	ssyncadd.s32 $0xFFFFD880  }
0x6a: {  	[hbm4b:s16+s22] =	stream.linear.scatter [tilespmem:s25], [sflag:$0x1], $0x2780, $0x38;
	[tilespmem:$0x177E0] =	vst v63  }
0x6b: {  	_ =	swait.ge [sflag:s20], $0x2780  }
0x6c: {  	[sflag:s20] =	ssyncset.done $0x0  }
0x6d: {  	[sflag:s20] =	ssyncadd.s32 $0xFFFFD880  }
0x6e: {  	[hbm4b:s17+s22] =	stream.linear.scatter [tilespmem:s26], [sflag:$0x1], $0x2780, $0x38;
	[tilespmem:$0x177E0] =	vst v63  }
0x6f: {  	_ =	swait.ge [sflag:s20], $0x2780  }
0x70: {  	[sflag:s20] =	ssyncset.done $0x0  }
0x71: {  	[sflag:s20] =	ssyncadd.s32 $0xFFFFD880  }
0x72: {  	s31 =	simm.s32 $0x9CB0;
	[bflag:$0x0] =	sbarrier.arrive $0xFFFF  }
0x73: {  	[spmem:s2] =	stream.indirect.scatter.add.f32 [tilespmem:s29], [sflag:$0x1], $0x10, s31, s28, $0xb8;
	[tilespmem:$0x177E0] =	vst v63  }
0x74: {  	s0 =	simm.s32 $0x200;
	_ =	swait.ge [sflag:s20], $0x800  }
.LBB2_8:
0x75: {  	s1 =	sshra.s32 s0, $0x2;
	[sflag:s20] =	ssyncset.done $0x0;
	p0 =	sne.s32 s0, $0x9C00  }
.Ltmp3:
0x76: {  	s1 =	sadd.s32 $0x9CB0, s1;
	[sflag:s20] =	ssyncadd.s32 $0xFFFFF800;
	(pc) =	sbr.rel @p0 .LBB2_8-.Ltmp3, $3  }
0x77: {  	[spmem:s2] =	stream.indirect.scatter.add.f32 [tilespmem:s29], [sflag:$0x1], $0x10, s1, s28, $0xb8;
	[tilespmem:$0x177E0] =	vst v63  }
0x78: {  	s0 =	sadd.s32 $0x200, s0;
	_ =	sdelay $0x1  }
0x79: {  	_ =	swait.ge [sflag:s20], $0x800  }
0x7a: {  	[sflag:s20] =	ssyncset.done $0x0  }
0x7b: {  	s0 =	stileid.u32;
	s1 =	sshrl.u32 s7, $0x3;
	s30 =	sadd.s32 $0x1, s30  }
0x7c: {  	[sflag:s20] =	ssyncadd.s32 $0xFFFFF800;
	s0 =	sshll.u32 s0, $0x6;
	p0 =	sne.s32 s30, s19  }
.Ltmp4:
0x7d: {  	[bflag:$0x0] =	sbarrier.arrive $0xFFFF;
	s0 =	sor.u32 $0x1C01, s0;
	(pc) =	sbr.rel @p0 .LBB2_1-.Ltmp4, $4  }
0x7e: {  	[hbm:s18], [sflag:s0] =	dma.local [spmem:s1], $0xEB0  }
0x7f: {  	_ =	swait.ge [sflag:s20], $0xEB0  }
0x80: {  	[sflag:s20] =	ssyncset.done $0x0  }
0x81: {  	[sflag:s20] =	ssyncadd.s32 $0xFFFFF150  }
0x82: {  	_ =	sfence.sel $0x180000  }
0x83: {  	[bflag:$0x0] =	sbarrier.arrive $0xFFFF  }
0x84: {  	_ =	strace $0x90000047  }
0x85: {  	s0 =	stileid.u32;
	[bflag:$0x2] =	sbarrier.arrive $0xFFFF  }
0x86: {  	p0 =	sne.s32 s0, $0x0;
	s0 =	rddreg [dreg:$0x3]  }
0x87: {  	s0 =	sadd.s32 @!p0 $0x100000, s0  }
0x88: {  	[sflag:s0] =	ssyncadd.tile.s32 @!p0 $0x1;
	_ =	shalt  }
.Lfunc_end2:
_tile_overlayer_lowered:
.L_overlay_start_2:
0x89: {  	(tag) =	ssettag $0x2  }
0x8a: {  	s0 =	rddreg [dreg:$0x0];
	s2 =	stileid.u32  }
0x8b: {  	s1 =	rddreg [dreg:$0x1];
	p0 =	sne.s32 s2, $0x0  }
0x8c: {  	s3 =	rddreg [dreg:$0x2];
	[bflag:$0x3] =	sbarrier.arrive $0xFFFF;
	s2 =	simm.s32 @!p0 $0x1C01  }
0x8d: {  	[timem:s3], [sflag:s2] =	dma.local @!p0 [hbm:s0], s1  }
0x8e: {  	s0 =	simm.s32 @!p0 $0x1  }
0x8f: {  	_ =	swait.ge @!p0 [sflag:s0], s1  }
0x90: {  	s1 =	ssub.s32 @!p0 $0x0, s1;
	[sflag:s0] =	ssyncset.done @!p0 $0x0  }
0x91: {  	[sflag:s0] =	ssyncadd.s32 @!p0 s1  }
0x92: {  	[bflag:$0x3] =	sbarrier.arrive $0xFFFF  }
0x93: {  	_ =	shalt  }

</sc_bundles>
